<compile_context>
chip_gen: v7x
topology: tpu7x:2x2x1
jax: 0.10.2.dev20260603
libtpu: 0.0.44.dev20260713+nightly
codegen_flags: <defaults>
</compile_context>

<pallas_src>
import functools

import jax
import jax.numpy as jnp
import numpy as np
from jax import lax
from jax.experimental import pallas as pl
from jax.experimental.pallas import tpu as pltpu
from jax.experimental.pallas import tpu_sc as plsc

N = 10000
E = 160000
IN = 128
H = 16
OUT = 2

NW = 32
CH = 128
EP = 163840
NCH = EP // (NW * CH)
PER = EP // NW
NACC = 10240
RPT = NACC // 16
NRC = RPT // CH
EC = 128
ENC = PER // EC
BEA = 512
LO = 256
NHI = NACC // LO
AW = 32

def _mesh():
    return plsc.VectorSubcoreMesh(core_axis_name="c", subcore_axis_name="s")


def _make_gather(D):
    @functools.partial(
        pl.kernel,
        mesh=_mesh(),
        out_type=jax.ShapeDtypeStruct((EP, D), jnp.float32),
        scratch_types=[
            pltpu.VMEM((ENC, EC), jnp.int32),
            pltpu.VMEM((EC, D), jnp.float32),
            pltpu.VMEM((EC, D), jnp.float32),
            pltpu.SemaphoreType.DMA,
            pltpu.SemaphoreType.DMA,
        ],
    )
    def gather(table_hbm, idx_hbm, out_hbm, idx_v, buf0, buf1, sem0, sem1):
        wid = lax.axis_index("s") * 2 + lax.axis_index("c")
        pltpu.sync_copy(idx_hbm.at[wid], idx_v)
        bufs = (buf0, buf1)
        sems = (sem0, sem1)
        pltpu.async_copy(table_hbm.at[idx_v.at[0]], buf0, sem0)

        def body(jj, carry):
            for p in range(2):
                j = jj * 2 + p
                pltpu.make_async_copy(table_hbm.at[idx_v.at[j]],
                                      bufs[p], sems[p]).wait()
                nxt = j + 1
                if True:
                    @pl.when(nxt < ENC)
                    def _():
                        pltpu.async_copy(table_hbm.at[idx_v.at[nxt]],
                                         bufs[(p + 1) % 2], sems[(p + 1) % 2])
                pltpu.sync_copy(bufs[p],
                                out_hbm.at[pl.ds(wid * PER + j * EC, EC)])
            return carry

        lax.fori_loop(0, ENC // 2, body, 0)

    return gather


def _msg1_body(xj_ref, ea_ref, w_ref, b_ref, out_ref):
    ea = ea_ref[...]
    wf = jnp.maximum(
        jnp.dot(ea, w_ref[...], preferred_element_type=jnp.float32)
        + b_ref[...], 0.0)
    xj = xj_ref[...]
    cols = []
    for o in range(H):
        p = wf[:, o * IN:(o + 1) * IN] * xj
        cols.append(jnp.sum(p, axis=1, keepdims=True))
    out_ref[...] = jnp.concatenate(cols, axis=1)


def _msg1(xj, ea, wr, br):
    BE = 512
    return pl.pallas_call(
        _msg1_body,
        grid=(EP // BE,),
        in_specs=[
            pl.BlockSpec((BE, IN), lambda i: (i, 0)),
            pl.BlockSpec((BE, 2), lambda i: (i, 0)),
            pl.BlockSpec((2, IN * H), lambda i: (0, 0)),
            pl.BlockSpec((1, IN * H), lambda i: (0, 0)),
        ],
        out_specs=pl.BlockSpec((BE, H), lambda i: (i, 0)),
        out_shape=jax.ShapeDtypeStruct((EP, H), jnp.float32),
    )(xj, ea, wr, br)


def _make_msg_small(oc, ow):
    def body(xj_ref, ea_ref, w_ref, b_ref, rep_ref, sel_ref, out_ref):
        wf = jnp.maximum(
            jnp.dot(ea_ref[...], w_ref[...],
                    preferred_element_type=jnp.float32) + b_ref[...], 0.0)
        xr = jnp.dot(xj_ref[:, :H], rep_ref[...],
                     preferred_element_type=jnp.float32)
        out_ref[...] = jnp.dot(wf * xr, sel_ref[...],
                               preferred_element_type=jnp.float32)

    BE = 2048
    K = H * oc

    def run(xj, ea, w, b, rep, sel):
        return pl.pallas_call(
            body,
            grid=(EP // BE,),
            in_specs=[
                pl.BlockSpec((BE, IN), lambda i: (i, 0)),
                pl.BlockSpec((BE, 2), lambda i: (i, 0)),
                pl.BlockSpec((2, K), lambda i: (0, 0)),
                pl.BlockSpec((1, K), lambda i: (0, 0)),
                pl.BlockSpec((H, K), lambda i: (0, 0)),
                pl.BlockSpec((K, ow), lambda i: (0, 0)),
            ],
            out_specs=pl.BlockSpec((BE, H), lambda i: (i, 0)),
            out_shape=jax.ShapeDtypeStruct((EP, H), jnp.float32),
        )(xj, ea, w, b, rep, sel)

    return run


_msg2 = _make_msg_small(H, H)
_msg3 = _make_msg_small(OUT, H)



def _agg_body(msg_ref, dstr_ref, dstc_ref, out_ref):
    i = pl.program_id(0)

    @pl.when(i == 0)
    def _():
        out_ref[...] = jnp.zeros((NACC, AW), jnp.float32)

    msg = msg_ref[...]
    m24 = jnp.concatenate(
        [msg, jnp.ones((BEA, 1), jnp.float32),
         jnp.zeros((BEA, AW - H - 1), jnp.float32)], axis=1)
    dr = dstr_ref[0]
    dc = dstc_ref[0]
    lo = jax.lax.rem(dr, LO)
    ohT = (jax.lax.broadcasted_iota(jnp.int32, (LO, BEA), 0) ==
           lo).astype(jnp.float32)
    hic = dc // LO
    x = jnp.concatenate(
        [m24 * (hic == hi).astype(jnp.float32) for hi in range(NHI)], axis=1)
    res = jnp.dot(ohT, x, preferred_element_type=jnp.float32)
    for hi in range(NHI):
        out_ref[pl.ds(hi * LO, LO), :] += res[:, hi * AW:(hi + 1) * AW]


def _agg(msg, dstr, dstc):
    return pl.pallas_call(
        _agg_body,
        grid=(EP // BEA,),
        in_specs=[
            pl.BlockSpec((BEA, H), lambda i: (i, 0)),
            pl.BlockSpec((1, 1, BEA), lambda i: (i, 0, 0)),
            pl.BlockSpec((1, BEA, 1), lambda i: (i, 0, 0)),
        ],
        out_specs=pl.BlockSpec((NACC, AW), lambda i: (0, 0)),
        out_shape=jax.ShapeDtypeStruct((NACC, AW), jnp.float32),
    )(msg, dstr, dstc)


def _make_finalize(ric, oc, do_relu, ow):
    R = 1024

    def body(acc_ref, hp_ref, root_ref, bias_ref, out_ref):
        acc = acc_ref[...]
        cnt = acc[:, H:H + 1]
        agg = acc[:, :oc] / jnp.maximum(cnt, 1.0)
        h = agg + jnp.dot(hp_ref[:, :ric], root_ref[...],
                          preferred_element_type=jnp.float32) + bias_ref[...]
        h = jnp.maximum(h, 0.0) if do_relu else h
        if ow > oc:
            h = jnp.concatenate(
                [h, jnp.zeros((h.shape[0], ow - oc), jnp.float32)], axis=1)
        out_ref[...] = h

    def run(acc, hp, root, bias):
        return pl.pallas_call(
            body,
            grid=(NACC // R,),
            in_specs=[
                pl.BlockSpec((R, AW), lambda i: (i, 0)),
                pl.BlockSpec((R, IN), lambda i: (i, 0)),
                pl.BlockSpec((ric, oc), lambda i: (0, 0)),
                pl.BlockSpec((1, oc), lambda i: (0, 0)),
            ],
            out_specs=pl.BlockSpec((R, ow), lambda i: (i, 0)),
            out_shape=jax.ShapeDtypeStruct((NACC, ow), jnp.float32),
        )(acc, hp, root, bias)

    return run


_fin1 = _make_finalize(IN, H, True, IN)
_fin2 = _make_finalize(H, H, True, IN)
_fin3 = _make_finalize(H, OUT, False, OUT)

_REP2 = np.kron(np.eye(H), np.ones((1, H))).astype(np.float32)
_SEL2 = np.kron(np.ones((H, 1)), np.eye(H)).astype(np.float32)
_REP3 = np.kron(np.eye(H), np.ones((1, OUT))).astype(np.float32)
_SEL3 = np.zeros((H * OUT, H), np.float32)
_SEL3[:, :OUT] = np.kron(np.ones((H, 1)), np.eye(OUT))


def kernel(x, edge_index, edge_attr, W1, b1, W2, b2, W3, b3,
           root1, bias1, root2, bias2, root3, bias3):
    src = jnp.pad(edge_index[0], (0, EP - E)).reshape(NW, ENC, EC)
    dst_flat = jnp.pad(edge_index[1], (0, EP - E), constant_values=N)
    dstr = dst_flat.reshape(EP // BEA, 1, BEA)
    dstc = dst_flat.reshape(EP // BEA, BEA, 1)
    ea = jnp.pad(edge_attr, ((0, EP - E), (0, 0)))
    x_pad = jnp.pad(x, ((0, NACC - N), (0, 0)))

    wr1 = W1.reshape(2, IN, H).transpose(0, 2, 1).reshape(2, IN * H)
    br1 = b1.reshape(IN, H).T.reshape(1, IN * H)

    _gather128 = _make_gather(IN)

    xj = _gather128(x, src)
    m1 = _msg1(xj, ea, wr1, br1)
    acc1 = _agg(m1, dstr, dstc)
    h1 = _fin1(acc1, x_pad, root1, bias1.reshape(1, H))

    xj2 = _gather128(h1, src)
    m2 = _msg2(xj2, ea, W2, b2.reshape(1, H * H), _REP2, _SEL2)
    acc2 = _agg(m2, dstr, dstc)
    h2 = _fin2(acc2, h1, root2, bias2.reshape(1, H))

    xj3 = _gather128(h2, src)
    m3 = _msg3(xj3, ea, W3, b3.reshape(1, H * OUT), _REP3, _SEL3)
    acc3 = _agg(m3, dstr, dstc)
    out = _fin3(acc3, h2, root3, bias3.reshape(1, OUT))
    return out[:N]

# --- scband reference (transcript-rebuilt; emitter-appended) ---
"""Pipeline reference for scband-gnnpinn-23184233463966 (READ-ONLY COPY).

The authoritative reference and input builder live on the scoring server;
editing this copy changes nothing except your own understanding.
"""

import jax, jax.numpy as jnp
import numpy as np

N = 10000
E = 160000
IN = 128
H = 16
OUT = 2


def setup_inputs(seed: int = 0) -> dict:
    key = jax.random.key(seed)
    ks = jax.random.split(key, 16)
    inp = {}
    inp["x"] = jax.random.normal(ks[0], (N, IN), dtype=jnp.float32)
    inp["edge_index"] = jax.random.randint(ks[1], (2, E), 0, N, dtype=jnp.int32)
    inp["edge_attr"] = jax.random.uniform(ks[2], (E, 2), dtype=jnp.float32)

    def lin_w(k, fan_in, fan_out):
        return jax.random.normal(k, (fan_in, fan_out), dtype=jnp.float32) / np.sqrt(fan_in)

    # edge MLPs: Linear(2, in*out) + ReLU
    inp["W1"] = lin_w(ks[3], 2, IN * H)
    inp["b1"] = jnp.zeros((IN * H,), jnp.float32)
    inp["W2"] = lin_w(ks[4], 2, H * H)
    inp["b2"] = jnp.zeros((H * H,), jnp.float32)
    inp["W3"] = lin_w(ks[5], 2, H * OUT)
    inp["b3"] = jnp.zeros((H * OUT,), jnp.float32)
    # NNConv root weights and biases
    inp["root1"] = lin_w(ks[6], IN, H)
    inp["bias1"] = jnp.zeros((H,), jnp.float32)
    inp["root2"] = lin_w(ks[7], H, H)
    inp["bias2"] = jnp.zeros((H,), jnp.float32)
    inp["root3"] = lin_w(ks[8], H, OUT)
    inp["bias3"] = jnp.zeros((OUT,), jnp.float32)
    return inp


def nnconv(x, edge_index, edge_attr, W, b, root, bias, in_c, out_c):
    # NNConv (aggr='mean'): out_i = mean_{j->i} (x_j @ h(e_ji)) + x_i @ root + bias
    src = edge_index[0]
    dst = edge_index[1]
    w = jax.nn.relu(edge_attr @ W + b).reshape(-1, in_c, out_c)  # [E, in, out]
    xj = jnp.take(x, src, axis=0)                                # gather  [E, in]
    msg = jnp.einsum('ei,eio->eo', xj, w)                        # [E, out]
    s = jax.ops.segment_sum(msg, dst, num_segments=x.shape[0])   # scatter-add
    cnt = jax.ops.segment_sum(jnp.ones((msg.shape[0],), jnp.float32), dst,
                              num_segments=x.shape[0])
    agg = s / jnp.maximum(cnt, 1.0)[:, None]
    return agg + x @ root + bias


def reference(x, edge_index, edge_attr, W1, b1, W2, b2, W3, b3,
              root1, bias1, root2, bias2, root3, bias3):
    h = jax.nn.relu(nnconv(x, edge_index, edge_attr, W1, b1, root1, bias1, IN, H))
    h = jax.nn.relu(nnconv(h, edge_index, edge_attr, W2, b2, root2, bias2, H, H))
    out = nnconv(h, edge_index, edge_attr, W3, b3, root3, bias3, H, OUT)
    return out

if __name__ == "__main__":
    import jax
    _d = setup_inputs()
    print(jax.jit(kernel)(*tuple(_d.values())))

</pallas_src>

<mosaic_0001>
#map = affine_map<(d0, d1) -> (0, 0)>
#map1 = affine_map<(d0, d1) -> (0, 0, 0)>
module attributes {stable_mosaic.version = 14 : i64} {
  func.func @gather(%arg0: i32, %arg1: i32, %arg2: memref<10240x128xf32, #tpu.memory_space<hbm>>, %arg3: memref<32x40x128xi32, #tpu.memory_space<hbm>>, %arg4: memref<163840x128xf32, #tpu.memory_space<hbm>>, %arg5: memref<40x128xi32, #tpu.memory_space<vmem>>, %arg6: memref<128x128xf32, #tpu.memory_space<vmem>>, %arg7: memref<128x128xf32, #tpu.memory_space<vmem>>, %arg8: memref<!tpu.dma_semaphore, #tpu.memory_space<semaphore_mem>>, %arg9: memref<!tpu.dma_semaphore, #tpu.memory_space<semaphore_mem>>) attributes {dimension_semantics = [#tpu.dimension_semantics<core_parallel>, #tpu.dimension_semantics<subcore_parallel>], iteration_bounds = array<i64: 2, 16>, scalar_prefetch = 0 : i64, scratch_operands = 5 : i64, tpu.core_type = #tpu.core_type<sc_vector_subcore>, window_params = [{transform_indices = #map}, {transform_indices = #map1}, {transform_indices = #map}]} {
    %mul3A = arith.constant 2 : i32
    %mul3A_0 = arith.muli %arg1, %mul3A : i32
    %add3A = arith.addi %mul3A_0, %arg0 : i32
    "tpu.region"() ({
      %run_scoped3A = tpu.sem_alloc : memref<!tpu.dma_semaphore, #tpu.memory_space<semaphore_mem>>
      %dma_start3A_12 = arith.constant 0 : i32
      %dma_start3A_13 = arith.constant 0 : i32
      %dma_start3A_14 = tpu.memref_slice %arg3[%add3A, %dma_start3A_12, %dma_start3A_13] : memref<32x40x128xi32, #tpu.memory_space<hbm>> -> memref<1x40x128xi32, #tpu.memory_space<hbm>>
      %dma_start3A_15 = tpu.memref_squeeze %dma_start3A_14 : memref<1x40x128xi32, #tpu.memory_space<hbm>> -> memref<40x128xi32, #tpu.memory_space<hbm>>
      %dma_start3A_16 = arith.constant 0 : i32
      %dma_start3A_17 = arith.constant 0 : i32
      %dma_start3A_18 = tpu.memref_slice %arg3[%add3A, %dma_start3A_16, %dma_start3A_17] : memref<32x40x128xi32, #tpu.memory_space<hbm>> -> memref<1x40x128xi32, #tpu.memory_space<hbm>>
      %dma_start3A_19 = tpu.memref_squeeze %dma_start3A_18 : memref<1x40x128xi32, #tpu.memory_space<hbm>> -> memref<40x128xi32, #tpu.memory_space<hbm>>
      tpu.enqueue_dma source(%dma_start3A_19 : memref<40x128xi32, #tpu.memory_space<hbm>>) target(%arg5 : memref<40x128xi32, #tpu.memory_space<vmem>>) target_semaphore(%run_scoped3A : memref<!tpu.dma_semaphore, #tpu.memory_space<semaphore_mem>>)
      %dma_wait3A = arith.constant 0 : i32
      %dma_wait3A_20 = arith.constant 0 : i32
      %dma_wait3A_21 = tpu.memref_slice %arg3[%add3A, %dma_wait3A, %dma_wait3A_20] : memref<32x40x128xi32, #tpu.memory_space<hbm>> -> memref<1x40x128xi32, #tpu.memory_space<hbm>>
      %dma_wait3A_22 = tpu.memref_squeeze %dma_wait3A_21 : memref<1x40x128xi32, #tpu.memory_space<hbm>> -> memref<40x128xi32, #tpu.memory_space<hbm>>
      %dma_wait3A_23 = arith.constant 0 : i32
      %dma_wait3A_24 = arith.constant 0 : i32
      %dma_wait3A_25 = tpu.memref_slice %arg3[%add3A, %dma_wait3A_23, %dma_wait3A_24] : memref<32x40x128xi32, #tpu.memory_space<hbm>> -> memref<1x40x128xi32, #tpu.memory_space<hbm>>
      %dma_wait3A_26 = tpu.memref_squeeze %dma_wait3A_25 : memref<1x40x128xi32, #tpu.memory_space<hbm>> -> memref<40x128xi32, #tpu.memory_space<hbm>>
      tpu.wait_dma2 semaphore(%run_scoped3A : memref<!tpu.dma_semaphore, #tpu.memory_space<semaphore_mem>>) src(%dma_wait3A_26 : memref<40x128xi32, #tpu.memory_space<hbm>>) dst(%arg5 : memref<40x128xi32, #tpu.memory_space<vmem>>)
      tpu.yield
    }) : () -> ()
    %dma_start3A = arith.constant 0 : i32
    %dma_start3A_1 = arith.constant 0 : i32
    %dma_start3A_2 = tpu.memref_slice %arg5[%dma_start3A, %dma_start3A_1] : memref<40x128xi32, #tpu.memory_space<vmem>> -> memref<1x128xi32, #tpu.memory_space<vmem>>
    %dma_start3A_3 = tpu.memref_squeeze %dma_start3A_2 : memref<1x128xi32, #tpu.memory_space<vmem>> -> memref<128xi32, #tpu.memory_space<vmem>>
    %dma_start3A_4 = arith.constant 0 : i32
    %dma_start3A_5 = arith.constant 0 : i32
    %dma_start3A_6 = tpu.memref_slice %arg2[%dma_start3A_4, %dma_start3A_5] : memref<10240x128xf32, #tpu.memory_space<hbm>> -> memref<10240x128xf32, #tpu.memory_space<hbm>>
    tpu.enqueue_indirect_dma source(%dma_start3A_6 : memref<10240x128xf32, #tpu.memory_space<hbm>>) target(%arg6 : memref<128x128xf32, #tpu.memory_space<vmem>>) offsets(%dma_start3A_3 : memref<128xi32, #tpu.memory_space<vmem>>) semaphore(%arg8 : memref<!tpu.dma_semaphore, #tpu.memory_space<semaphore_mem>>)
    %scan3A = arith.constant 0 : i32
    %scan3A_7 = arith.constant 0 : i32
    %scan3A_8 = arith.constant 20 : i32
    %scan3A_9 = arith.addi %scan3A_7, %scan3A_8 : i32
    %scan3A_10 = arith.constant 1 : i32
    scf.for %scan3A_12 = %scan3A_7 to %scan3A_9 step %scan3A_10  : i32 {
      %mul3A_13 = arith.constant 2 : i32
      %mul3A_14 = arith.muli %scan3A_12, %mul3A_13 : i32
      %add3A_15 = arith.constant 0 : i32
      %add3A_16 = arith.addi %mul3A_14, %add3A_15 : i32
      %dma_wait3A = arith.constant 0 : i32
      %dma_wait3A_17 = tpu.memref_slice %arg5[%add3A_16, %dma_wait3A] : memref<40x128xi32, #tpu.memory_space<vmem>> -> memref<1x128xi32, #tpu.memory_space<vmem>>
      %dma_wait3A_18 = tpu.memref_squeeze %dma_wait3A_17 : memref<1x128xi32, #tpu.memory_space<vmem>> -> memref<128xi32, #tpu.memory_space<vmem>>
      %dma_wait3A_19 = arith.constant 0 : i32
      %dma_wait3A_20 = arith.constant 0 : i32
      %dma_wait3A_21 = tpu.memref_slice %arg2[%dma_wait3A_19, %dma_wait3A_20] : memref<10240x128xf32, #tpu.memory_space<hbm>> -> memref<10240x128xf32, #tpu.memory_space<hbm>>
      tpu.wait_indirect_dma semaphore(%arg8 : memref<!tpu.dma_semaphore, #tpu.memory_space<semaphore_mem>>) src(%dma_wait3A_21 : memref<10240x128xf32, #tpu.memory_space<hbm>>) dst(%arg6 : memref<128x128xf32, #tpu.memory_space<vmem>>)
      %add3A_22 = arith.constant 1 : i32
      %add3A_23 = arith.addi %add3A_16, %add3A_22 : i32
      %lt3A = arith.constant 40 : i32
      %lt3A_24 = arith.cmpi slt, %add3A_23, %lt3A : i32
      %convert_element_type3A = arith.extui %lt3A_24 : i1 to i32
      %cond3A = arith.constant 0 : i32
      %cond3A_25 = arith.cmpi ne, %convert_element_type3A, %cond3A : i32
      scf.if %cond3A_25 {
        %dma_start3A_53 = arith.constant 0 : i32
        %dma_start3A_54 = tpu.memref_slice %arg5[%add3A_23, %dma_start3A_53] : memref<40x128xi32, #tpu.memory_space<vmem>> -> memref<1x128xi32, #tpu.memory_space<vmem>>
        %dma_start3A_55 = tpu.memref_squeeze %dma_start3A_54 : memref<1x128xi32, #tpu.memory_space<vmem>> -> memref<128xi32, #tpu.memory_space<vmem>>
        %dma_start3A_56 = arith.constant 0 : i32
        %dma_start3A_57 = arith.constant 0 : i32
        %dma_start3A_58 = tpu.memref_slice %arg2[%dma_start3A_56, %dma_start3A_57] : memref<10240x128xf32, #tpu.memory_space<hbm>> -> memref<10240x128xf32, #tpu.memory_space<hbm>>
        tpu.enqueue_indirect_dma source(%dma_start3A_58 : memref<10240x128xf32, #tpu.memory_space<hbm>>) target(%arg7 : memref<128x128xf32, #tpu.memory_space<vmem>>) offsets(%dma_start3A_55 : memref<128xi32, #tpu.memory_space<vmem>>) semaphore(%arg9 : memref<!tpu.dma_semaphore, #tpu.memory_space<semaphore_mem>>)
      } else {
      }
      %mul3A_26 = arith.constant 5120 : i32
      %mul3A_27 = arith.muli %add3A, %mul3A_26 : i32
      %mul3A_28 = arith.constant 128 : i32
      %mul3A_29 = arith.muli %add3A_16, %mul3A_28 : i32
      %add3A_30 = arith.addi %mul3A_27, %mul3A_29 : i32
      "tpu.region"() ({
        %run_scoped3A = tpu.sem_alloc : memref<!tpu.dma_semaphore, #tpu.memory_space<semaphore_mem>>
        %dma_start3A_53 = arith.constant 0 : i32
        %dma_start3A_54 = tpu.memref_slice %arg4[%add3A_30, %dma_start3A_53] : memref<163840x128xf32, #tpu.memory_space<hbm>> -> memref<128x128xf32, #tpu.memory_space<hbm>>
        %dma_start3A_55 = arith.constant 0 : i32
        %dma_start3A_56 = tpu.memref_slice %arg4[%add3A_30, %dma_start3A_55] : memref<163840x128xf32, #tpu.memory_space<hbm>> -> memref<128x128xf32, #tpu.memory_space<hbm>>
        tpu.enqueue_dma source(%arg6 : memref<128x128xf32, #tpu.memory_space<vmem>>) target(%dma_start3A_56 : memref<128x128xf32, #tpu.memory_space<hbm>>) target_semaphore(%run_scoped3A : memref<!tpu.dma_semaphore, #tpu.memory_space<semaphore_mem>>)
        %dma_wait3A_57 = arith.constant 0 : i32
        %dma_wait3A_58 = tpu.memref_slice %arg4[%add3A_30, %dma_wait3A_57] : memref<163840x128xf32, #tpu.memory_space<hbm>> -> memref<128x128xf32, #tpu.memory_space<hbm>>
        %dma_wait3A_59 = arith.constant 0 : i32
        %dma_wait3A_60 = tpu.memref_slice %arg4[%add3A_30, %dma_wait3A_59] : memref<163840x128xf32, #tpu.memory_space<hbm>> -> memref<128x128xf32, #tpu.memory_space<hbm>>
        tpu.wait_dma2 semaphore(%run_scoped3A : memref<!tpu.dma_semaphore, #tpu.memory_space<semaphore_mem>>) src(%arg6 : memref<128x128xf32, #tpu.memory_space<vmem>>) dst(%dma_wait3A_60 : memref<128x128xf32, #tpu.memory_space<hbm>>)
        tpu.yield
      }) : () -> ()
      %mul3A_31 = arith.constant 2 : i32
      %mul3A_32 = arith.muli %scan3A_12, %mul3A_31 : i32
      %add3A_33 = arith.constant 1 : i32
      %add3A_34 = arith.addi %mul3A_32, %add3A_33 : i32
      %dma_wait3A_35 = arith.constant 0 : i32
      %dma_wait3A_36 = tpu.memref_slice %arg5[%add3A_34, %dma_wait3A_35] : memref<40x128xi32, #tpu.memory_space<vmem>> -> memref<1x128xi32, #tpu.memory_space<vmem>>
      %dma_wait3A_37 = tpu.memref_squeeze %dma_wait3A_36 : memref<1x128xi32, #tpu.memory_space<vmem>> -> memref<128xi32, #tpu.memory_space<vmem>>
      %dma_wait3A_38 = arith.constant 0 : i32
      %dma_wait3A_39 = arith.constant 0 : i32
      %dma_wait3A_40 = tpu.memref_slice %arg2[%dma_wait3A_38, %dma_wait3A_39] : memref<10240x128xf32, #tpu.memory_space<hbm>> -> memref<10240x128xf32, #tpu.memory_space<hbm>>
      tpu.wait_indirect_dma semaphore(%arg9 : memref<!tpu.dma_semaphore, #tpu.memory_space<semaphore_mem>>) src(%dma_wait3A_40 : memref<10240x128xf32, #tpu.memory_space<hbm>>) dst(%arg7 : memref<128x128xf32, #tpu.memory_space<vmem>>)
      %add3A_41 = arith.constant 1 : i32
      %add3A_42 = arith.addi %add3A_34, %add3A_41 : i32
      %lt3A_43 = arith.constant 40 : i32
      %lt3A_44 = arith.cmpi slt, %add3A_42, %lt3A_43 : i32
      %convert_element_type3A_45 = arith.extui %lt3A_44 : i1 to i32
      %cond3A_46 = arith.constant 0 : i32
      %cond3A_47 = arith.cmpi ne, %convert_element_type3A_45, %cond3A_46 : i32
      scf.if %cond3A_47 {
        %dma_start3A_53 = arith.constant 0 : i32
        %dma_start3A_54 = tpu.memref_slice %arg5[%add3A_42, %dma_start3A_53] : memref<40x128xi32, #tpu.memory_space<vmem>> -> memref<1x128xi32, #tpu.memory_space<vmem>>
        %dma_start3A_55 = tpu.memref_squeeze %dma_start3A_54 : memref<1x128xi32, #tpu.memory_space<vmem>> -> memref<128xi32, #tpu.memory_space<vmem>>
        %dma_start3A_56 = arith.constant 0 : i32
        %dma_start3A_57 = arith.constant 0 : i32
        %dma_start3A_58 = tpu.memref_slice %arg2[%dma_start3A_56, %dma_start3A_57] : memref<10240x128xf32, #tpu.memory_space<hbm>> -> memref<10240x128xf32, #tpu.memory_space<hbm>>
        tpu.enqueue_indirect_dma source(%dma_start3A_58 : memref<10240x128xf32, #tpu.memory_space<hbm>>) target(%arg6 : memref<128x128xf32, #tpu.memory_space<vmem>>) offsets(%dma_start3A_55 : memref<128xi32, #tpu.memory_space<vmem>>) semaphore(%arg8 : memref<!tpu.dma_semaphore, #tpu.memory_space<semaphore_mem>>)
      } else {
      }
      %mul3A_48 = arith.constant 5120 : i32
      %mul3A_49 = arith.muli %add3A, %mul3A_48 : i32
      %mul3A_50 = arith.constant 128 : i32
      %mul3A_51 = arith.muli %add3A_34, %mul3A_50 : i32
      %add3A_52 = arith.addi %mul3A_49, %mul3A_51 : i32
      "tpu.region"() ({
        %run_scoped3A = tpu.sem_alloc : memref<!tpu.dma_semaphore, #tpu.memory_space<semaphore_mem>>
        %dma_start3A_53 = arith.constant 0 : i32
        %dma_start3A_54 = tpu.memref_slice %arg4[%add3A_52, %dma_start3A_53] : memref<163840x128xf32, #tpu.memory_space<hbm>> -> memref<128x128xf32, #tpu.memory_space<hbm>>
        %dma_start3A_55 = arith.constant 0 : i32
        %dma_start3A_56 = tpu.memref_slice %arg4[%add3A_52, %dma_start3A_55] : memref<163840x128xf32, #tpu.memory_space<hbm>> -> memref<128x128xf32, #tpu.memory_space<hbm>>
        tpu.enqueue_dma source(%arg7 : memref<128x128xf32, #tpu.memory_space<vmem>>) target(%dma_start3A_56 : memref<128x128xf32, #tpu.memory_space<hbm>>) target_semaphore(%run_scoped3A : memref<!tpu.dma_semaphore, #tpu.memory_space<semaphore_mem>>)
        %dma_wait3A_57 = arith.constant 0 : i32
        %dma_wait3A_58 = tpu.memref_slice %arg4[%add3A_52, %dma_wait3A_57] : memref<163840x128xf32, #tpu.memory_space<hbm>> -> memref<128x128xf32, #tpu.memory_space<hbm>>
        %dma_wait3A_59 = arith.constant 0 : i32
        %dma_wait3A_60 = tpu.memref_slice %arg4[%add3A_52, %dma_wait3A_59] : memref<163840x128xf32, #tpu.memory_space<hbm>> -> memref<128x128xf32, #tpu.memory_space<hbm>>
        tpu.wait_dma2 semaphore(%run_scoped3A : memref<!tpu.dma_semaphore, #tpu.memory_space<semaphore_mem>>) src(%arg7 : memref<128x128xf32, #tpu.memory_space<vmem>>) dst(%dma_wait3A_60 : memref<128x128xf32, #tpu.memory_space<hbm>>)
        tpu.yield
      }) : () -> ()
    }
    %scan3A_11 = arith.constant 20 : i32
    return
  }
}

#map = affine_map<(d0, d1) -> (0, 0)>
#map1 = affine_map<(d0, d1) -> (0, 0, 0)>
module attributes {stable_mosaic.version = 14 : i64} {
  func.func @gather(%arg0: i32, %arg1: i32, %arg2: memref<10000x128xf32, #tpu.memory_space<hbm>>, %arg3: memref<32x40x128xi32, #tpu.memory_space<hbm>>, %arg4: memref<163840x128xf32, #tpu.memory_space<hbm>>, %arg5: memref<40x128xi32, #tpu.memory_space<vmem>>, %arg6: memref<128x128xf32, #tpu.memory_space<vmem>>, %arg7: memref<128x128xf32, #tpu.memory_space<vmem>>, %arg8: memref<!tpu.dma_semaphore, #tpu.memory_space<semaphore_mem>>, %arg9: memref<!tpu.dma_semaphore, #tpu.memory_space<semaphore_mem>>) attributes {dimension_semantics = [#tpu.dimension_semantics<core_parallel>, #tpu.dimension_semantics<subcore_parallel>], iteration_bounds = array<i64: 2, 16>, scalar_prefetch = 0 : i64, scratch_operands = 5 : i64, tpu.core_type = #tpu.core_type<sc_vector_subcore>, window_params = [{transform_indices = #map}, {transform_indices = #map1}, {transform_indices = #map}]} {
    %mul3A = arith.constant 2 : i32
    %mul3A_0 = arith.muli %arg1, %mul3A : i32
    %add3A = arith.addi %mul3A_0, %arg0 : i32
    "tpu.region"() ({
      %run_scoped3A = tpu.sem_alloc : memref<!tpu.dma_semaphore, #tpu.memory_space<semaphore_mem>>
      %dma_start3A_12 = arith.constant 0 : i32
      %dma_start3A_13 = arith.constant 0 : i32
      %dma_start3A_14 = tpu.memref_slice %arg3[%add3A, %dma_start3A_12, %dma_start3A_13] : memref<32x40x128xi32, #tpu.memory_space<hbm>> -> memref<1x40x128xi32, #tpu.memory_space<hbm>>
      %dma_start3A_15 = tpu.memref_squeeze %dma_start3A_14 : memref<1x40x128xi32, #tpu.memory_space<hbm>> -> memref<40x128xi32, #tpu.memory_space<hbm>>
      %dma_start3A_16 = arith.constant 0 : i32
      %dma_start3A_17 = arith.constant 0 : i32
      %dma_start3A_18 = tpu.memref_slice %arg3[%add3A, %dma_start3A_16, %dma_start3A_17] : memref<32x40x128xi32, #tpu.memory_space<hbm>> -> memref<1x40x128xi32, #tpu.memory_space<hbm>>
      %dma_start3A_19 = tpu.memref_squeeze %dma_start3A_18 : memref<1x40x128xi32, #tpu.memory_space<hbm>> -> memref<40x128xi32, #tpu.memory_space<hbm>>
      tpu.enqueue_dma source(%dma_start3A_19 : memref<40x128xi32, #tpu.memory_space<hbm>>) target(%arg5 : memref<40x128xi32, #tpu.memory_space<vmem>>) target_semaphore(%run_scoped3A : memref<!tpu.dma_semaphore, #tpu.memory_space<semaphore_mem>>)
      %dma_wait3A = arith.constant 0 : i32
      %dma_wait3A_20 = arith.constant 0 : i32
      %dma_wait3A_21 = tpu.memref_slice %arg3[%add3A, %dma_wait3A, %dma_wait3A_20] : memref<32x40x128xi32, #tpu.memory_space<hbm>> -> memref<1x40x128xi32, #tpu.memory_space<hbm>>
      %dma_wait3A_22 = tpu.memref_squeeze %dma_wait3A_21 : memref<1x40x128xi32, #tpu.memory_space<hbm>> -> memref<40x128xi32, #tpu.memory_space<hbm>>
      %dma_wait3A_23 = arith.constant 0 : i32
      %dma_wait3A_24 = arith.constant 0 : i32
      %dma_wait3A_25 = tpu.memref_slice %arg3[%add3A, %dma_wait3A_23, %dma_wait3A_24] : memref<32x40x128xi32, #tpu.memory_space<hbm>> -> memref<1x40x128xi32, #tpu.memory_space<hbm>>
      %dma_wait3A_26 = tpu.memref_squeeze %dma_wait3A_25 : memref<1x40x128xi32, #tpu.memory_space<hbm>> -> memref<40x128xi32, #tpu.memory_space<hbm>>
      tpu.wait_dma2 semaphore(%run_scoped3A : memref<!tpu.dma_semaphore, #tpu.memory_space<semaphore_mem>>) src(%dma_wait3A_26 : memref<40x128xi32, #tpu.memory_space<hbm>>) dst(%arg5 : memref<40x128xi32, #tpu.memory_space<vmem>>)
      tpu.yield
    }) : () -> ()
    %dma_start3A = arith.constant 0 : i32
    %dma_start3A_1 = arith.constant 0 : i32
    %dma_start3A_2 = tpu.memref_slice %arg5[%dma_start3A, %dma_start3A_1] : memref<40x128xi32, #tpu.memory_space<vmem>> -> memref<1x128xi32, #tpu.memory_space<vmem>>
    %dma_start3A_3 = tpu.memref_squeeze %dma_start3A_2 : memref<1x128xi32, #tpu.memory_space<vmem>> -> memref<128xi32, #tpu.memory_space<vmem>>
    %dma_start3A_4 = arith.constant 0 : i32
    %dma_start3A_5 = arith.constant 0 : i32
    %dma_start3A_6 = tpu.memref_slice %arg2[%dma_start3A_4, %dma_start3A_5] : memref<10000x128xf32, #tpu.memory_space<hbm>> -> memref<10000x128xf32, #tpu.memory_space<hbm>>
    tpu.enqueue_indirect_dma source(%dma_start3A_6 : memref<10000x128xf32, #tpu.memory_space<hbm>>) target(%arg6 : memref<128x128xf32, #tpu.memory_space<vmem>>) offsets(%dma_start3A_3 : memref<128xi32, #tpu.memory_space<vmem>>) semaphore(%arg8 : memref<!tpu.dma_semaphore, #tpu.memory_space<semaphore_mem>>)
    %scan3A = arith.constant 0 : i32
    %scan3A_7 = arith.constant 0 : i32
    %scan3A_8 = arith.constant 20 : i32
    %scan3A_9 = arith.addi %scan3A_7, %scan3A_8 : i32
    %scan3A_10 = arith.constant 1 : i32
    scf.for %scan3A_12 = %scan3A_7 to %scan3A_9 step %scan3A_10  : i32 {
      %mul3A_13 = arith.constant 2 : i32
      %mul3A_14 = arith.muli %scan3A_12, %mul3A_13 : i32
      %add3A_15 = arith.constant 0 : i32
      %add3A_16 = arith.addi %mul3A_14, %add3A_15 : i32
      %dma_wait3A = arith.constant 0 : i32
      %dma_wait3A_17 = tpu.memref_slice %arg5[%add3A_16, %dma_wait3A] : memref<40x128xi32, #tpu.memory_space<vmem>> -> memref<1x128xi32, #tpu.memory_space<vmem>>
      %dma_wait3A_18 = tpu.memref_squeeze %dma_wait3A_17 : memref<1x128xi32, #tpu.memory_space<vmem>> -> memref<128xi32, #tpu.memory_space<vmem>>
      %dma_wait3A_19 = arith.constant 0 : i32
      %dma_wait3A_20 = arith.constant 0 : i32
      %dma_wait3A_21 = tpu.memref_slice %arg2[%dma_wait3A_19, %dma_wait3A_20] : memref<10000x128xf32, #tpu.memory_space<hbm>> -> memref<10000x128xf32, #tpu.memory_space<hbm>>
      tpu.wait_indirect_dma semaphore(%arg8 : memref<!tpu.dma_semaphore, #tpu.memory_space<semaphore_mem>>) src(%dma_wait3A_21 : memref<10000x128xf32, #tpu.memory_space<hbm>>) dst(%arg6 : memref<128x128xf32, #tpu.memory_space<vmem>>)
      %add3A_22 = arith.constant 1 : i32
      %add3A_23 = arith.addi %add3A_16, %add3A_22 : i32
      %lt3A = arith.constant 40 : i32
      %lt3A_24 = arith.cmpi slt, %add3A_23, %lt3A : i32
      %convert_element_type3A = arith.extui %lt3A_24 : i1 to i32
      %cond3A = arith.constant 0 : i32
      %cond3A_25 = arith.cmpi ne, %convert_element_type3A, %cond3A : i32
      scf.if %cond3A_25 {
        %dma_start3A_53 = arith.constant 0 : i32
        %dma_start3A_54 = tpu.memref_slice %arg5[%add3A_23, %dma_start3A_53] : memref<40x128xi32, #tpu.memory_space<vmem>> -> memref<1x128xi32, #tpu.memory_space<vmem>>
        %dma_start3A_55 = tpu.memref_squeeze %dma_start3A_54 : memref<1x128xi32, #tpu.memory_space<vmem>> -> memref<128xi32, #tpu.memory_space<vmem>>
        %dma_start3A_56 = arith.constant 0 : i32
        %dma_start3A_57 = arith.constant 0 : i32
        %dma_start3A_58 = tpu.memref_slice %arg2[%dma_start3A_56, %dma_start3A_57] : memref<10000x128xf32, #tpu.memory_space<hbm>> -> memref<10000x128xf32, #tpu.memory_space<hbm>>
        tpu.enqueue_indirect_dma source(%dma_start3A_58 : memref<10000x128xf32, #tpu.memory_space<hbm>>) target(%arg7 : memref<128x128xf32, #tpu.memory_space<vmem>>) offsets(%dma_start3A_55 : memref<128xi32, #tpu.memory_space<vmem>>) semaphore(%arg9 : memref<!tpu.dma_semaphore, #tpu.memory_space<semaphore_mem>>)
      } else {
      }
      %mul3A_26 = arith.constant 5120 : i32
      %mul3A_27 = arith.muli %add3A, %mul3A_26 : i32
      %mul3A_28 = arith.constant 128 : i32
      %mul3A_29 = arith.muli %add3A_16, %mul3A_28 : i32
      %add3A_30 = arith.addi %mul3A_27, %mul3A_29 : i32
      "tpu.region"() ({
        %run_scoped3A = tpu.sem_alloc : memref<!tpu.dma_semaphore, #tpu.memory_space<semaphore_mem>>
        %dma_start3A_53 = arith.constant 0 : i32
        %dma_start3A_54 = tpu.memref_slice %arg4[%add3A_30, %dma_start3A_53] : memref<163840x128xf32, #tpu.memory_space<hbm>> -> memref<128x128xf32, #tpu.memory_space<hbm>>
        %dma_start3A_55 = arith.constant 0 : i32
        %dma_start3A_56 = tpu.memref_slice %arg4[%add3A_30, %dma_start3A_55] : memref<163840x128xf32, #tpu.memory_space<hbm>> -> memref<128x128xf32, #tpu.memory_space<hbm>>
        tpu.enqueue_dma source(%arg6 : memref<128x128xf32, #tpu.memory_space<vmem>>) target(%dma_start3A_56 : memref<128x128xf32, #tpu.memory_space<hbm>>) target_semaphore(%run_scoped3A : memref<!tpu.dma_semaphore, #tpu.memory_space<semaphore_mem>>)
        %dma_wait3A_57 = arith.constant 0 : i32
        %dma_wait3A_58 = tpu.memref_slice %arg4[%add3A_30, %dma_wait3A_57] : memref<163840x128xf32, #tpu.memory_space<hbm>> -> memref<128x128xf32, #tpu.memory_space<hbm>>
        %dma_wait3A_59 = arith.constant 0 : i32
        %dma_wait3A_60 = tpu.memref_slice %arg4[%add3A_30, %dma_wait3A_59] : memref<163840x128xf32, #tpu.memory_space<hbm>> -> memref<128x128xf32, #tpu.memory_space<hbm>>
        tpu.wait_dma2 semaphore(%run_scoped3A : memref<!tpu.dma_semaphore, #tpu.memory_space<semaphore_mem>>) src(%arg6 : memref<128x128xf32, #tpu.memory_space<vmem>>) dst(%dma_wait3A_60 : memref<128x128xf32, #tpu.memory_space<hbm>>)
        tpu.yield
      }) : () -> ()
      %mul3A_31 = arith.constant 2 : i32
      %mul3A_32 = arith.muli %scan3A_12, %mul3A_31 : i32
      %add3A_33 = arith.constant 1 : i32
      %add3A_34 = arith.addi %mul3A_32, %add3A_33 : i32
      %dma_wait3A_35 = arith.constant 0 : i32
      %dma_wait3A_36 = tpu.memref_slice %arg5[%add3A_34, %dma_wait3A_35] : memref<40x128xi32, #tpu.memory_space<vmem>> -> memref<1x128xi32, #tpu.memory_space<vmem>>
      %dma_wait3A_37 = tpu.memref_squeeze %dma_wait3A_36 : memref<1x128xi32, #tpu.memory_space<vmem>> -> memref<128xi32, #tpu.memory_space<vmem>>
      %dma_wait3A_38 = arith.constant 0 : i32
      %dma_wait3A_39 = arith.constant 0 : i32
      %dma_wait3A_40 = tpu.memref_slice %arg2[%dma_wait3A_38, %dma_wait3A_39] : memref<10000x128xf32, #tpu.memory_space<hbm>> -> memref<10000x128xf32, #tpu.memory_space<hbm>>
      tpu.wait_indirect_dma semaphore(%arg9 : memref<!tpu.dma_semaphore, #tpu.memory_space<semaphore_mem>>) src(%dma_wait3A_40 : memref<10000x128xf32, #tpu.memory_space<hbm>>) dst(%arg7 : memref<128x128xf32, #tpu.memory_space<vmem>>)
      %add3A_41 = arith.constant 1 : i32
      %add3A_42 = arith.addi %add3A_34, %add3A_41 : i32
      %lt3A_43 = arith.constant 40 : i32
      %lt3A_44 = arith.cmpi slt, %add3A_42, %lt3A_43 : i32
      %convert_element_type3A_45 = arith.extui %lt3A_44 : i1 to i32
      %cond3A_46 = arith.constant 0 : i32
      %cond3A_47 = arith.cmpi ne, %convert_element_type3A_45, %cond3A_46 : i32
      scf.if %cond3A_47 {
        %dma_start3A_53 = arith.constant 0 : i32
        %dma_start3A_54 = tpu.memref_slice %arg5[%add3A_42, %dma_start3A_53] : memref<40x128xi32, #tpu.memory_space<vmem>> -> memref<1x128xi32, #tpu.memory_space<vmem>>
        %dma_start3A_55 = tpu.memref_squeeze %dma_start3A_54 : memref<1x128xi32, #tpu.memory_space<vmem>> -> memref<128xi32, #tpu.memory_space<vmem>>
        %dma_start3A_56 = arith.constant 0 : i32
        %dma_start3A_57 = arith.constant 0 : i32
        %dma_start3A_58 = tpu.memref_slice %arg2[%dma_start3A_56, %dma_start3A_57] : memref<10000x128xf32, #tpu.memory_space<hbm>> -> memref<10000x128xf32, #tpu.memory_space<hbm>>
        tpu.enqueue_indirect_dma source(%dma_start3A_58 : memref<10000x128xf32, #tpu.memory_space<hbm>>) target(%arg6 : memref<128x128xf32, #tpu.memory_space<vmem>>) offsets(%dma_start3A_55 : memref<128xi32, #tpu.memory_space<vmem>>) semaphore(%arg8 : memref<!tpu.dma_semaphore, #tpu.memory_space<semaphore_mem>>)
      } else {
      }
      %mul3A_48 = arith.constant 5120 : i32
      %mul3A_49 = arith.muli %add3A, %mul3A_48 : i32
      %mul3A_50 = arith.constant 128 : i32
      %mul3A_51 = arith.muli %add3A_34, %mul3A_50 : i32
      %add3A_52 = arith.addi %mul3A_49, %mul3A_51 : i32
      "tpu.region"() ({
        %run_scoped3A = tpu.sem_alloc : memref<!tpu.dma_semaphore, #tpu.memory_space<semaphore_mem>>
        %dma_start3A_53 = arith.constant 0 : i32
        %dma_start3A_54 = tpu.memref_slice %arg4[%add3A_52, %dma_start3A_53] : memref<163840x128xf32, #tpu.memory_space<hbm>> -> memref<128x128xf32, #tpu.memory_space<hbm>>
        %dma_start3A_55 = arith.constant 0 : i32
        %dma_start3A_56 = tpu.memref_slice %arg4[%add3A_52, %dma_start3A_55] : memref<163840x128xf32, #tpu.memory_space<hbm>> -> memref<128x128xf32, #tpu.memory_space<hbm>>
        tpu.enqueue_dma source(%arg7 : memref<128x128xf32, #tpu.memory_space<vmem>>) target(%dma_start3A_56 : memref<128x128xf32, #tpu.memory_space<hbm>>) target_semaphore(%run_scoped3A : memref<!tpu.dma_semaphore, #tpu.memory_space<semaphore_mem>>)
        %dma_wait3A_57 = arith.constant 0 : i32
        %dma_wait3A_58 = tpu.memref_slice %arg4[%add3A_52, %dma_wait3A_57] : memref<163840x128xf32, #tpu.memory_space<hbm>> -> memref<128x128xf32, #tpu.memory_space<hbm>>
        %dma_wait3A_59 = arith.constant 0 : i32
        %dma_wait3A_60 = tpu.memref_slice %arg4[%add3A_52, %dma_wait3A_59] : memref<163840x128xf32, #tpu.memory_space<hbm>> -> memref<128x128xf32, #tpu.memory_space<hbm>>
        tpu.wait_dma2 semaphore(%run_scoped3A : memref<!tpu.dma_semaphore, #tpu.memory_space<semaphore_mem>>) src(%arg7 : memref<128x128xf32, #tpu.memory_space<vmem>>) dst(%dma_wait3A_60 : memref<128x128xf32, #tpu.memory_space<hbm>>)
        tpu.yield
      }) : () -> ()
    }
    %scan3A_11 = arith.constant 20 : i32
    return
  }
}

#map = affine_map<(d0, d1) -> (0, 0)>
#map1 = affine_map<(d0, d1) -> (0, 0, 0)>
module attributes {stable_mosaic.version = 14 : i64} {
  func.func @gather(%arg0: i32, %arg1: i32, %arg2: memref<10240x128xf32, #tpu.memory_space<hbm>>, %arg3: memref<32x40x128xi32, #tpu.memory_space<hbm>>, %arg4: memref<163840x128xf32, #tpu.memory_space<hbm>>, %arg5: memref<40x128xi32, #tpu.memory_space<vmem>>, %arg6: memref<128x128xf32, #tpu.memory_space<vmem>>, %arg7: memref<128x128xf32, #tpu.memory_space<vmem>>, %arg8: memref<!tpu.dma_semaphore, #tpu.memory_space<semaphore_mem>>, %arg9: memref<!tpu.dma_semaphore, #tpu.memory_space<semaphore_mem>>) attributes {dimension_semantics = [#tpu.dimension_semantics<core_parallel>, #tpu.dimension_semantics<subcore_parallel>], iteration_bounds = array<i64: 2, 16>, scalar_prefetch = 0 : i64, scratch_operands = 5 : i64, tpu.core_type = #tpu.core_type<sc_vector_subcore>, window_params = [{transform_indices = #map}, {transform_indices = #map1}, {transform_indices = #map}]} {
    %mul3A = arith.constant 2 : i32
    %mul3A_0 = arith.muli %arg1, %mul3A : i32
    %add3A = arith.addi %mul3A_0, %arg0 : i32
    "tpu.region"() ({
      %run_scoped3A = tpu.sem_alloc : memref<!tpu.dma_semaphore, #tpu.memory_space<semaphore_mem>>
      %dma_start3A_12 = arith.constant 0 : i32
      %dma_start3A_13 = arith.constant 0 : i32
      %dma_start3A_14 = tpu.memref_slice %arg3[%add3A, %dma_start3A_12, %dma_start3A_13] : memref<32x40x128xi32, #tpu.memory_space<hbm>> -> memref<1x40x128xi32, #tpu.memory_space<hbm>>
      %dma_start3A_15 = tpu.memref_squeeze %dma_start3A_14 : memref<1x40x128xi32, #tpu.memory_space<hbm>> -> memref<40x128xi32, #tpu.memory_space<hbm>>
      %dma_start3A_16 = arith.constant 0 : i32
      %dma_start3A_17 = arith.constant 0 : i32
      %dma_start3A_18 = tpu.memref_slice %arg3[%add3A, %dma_start3A_16, %dma_start3A_17] : memref<32x40x128xi32, #tpu.memory_space<hbm>> -> memref<1x40x128xi32, #tpu.memory_space<hbm>>
      %dma_start3A_19 = tpu.memref_squeeze %dma_start3A_18 : memref<1x40x128xi32, #tpu.memory_space<hbm>> -> memref<40x128xi32, #tpu.memory_space<hbm>>
      tpu.enqueue_dma source(%dma_start3A_19 : memref<40x128xi32, #tpu.memory_space<hbm>>) target(%arg5 : memref<40x128xi32, #tpu.memory_space<vmem>>) target_semaphore(%run_scoped3A : memref<!tpu.dma_semaphore, #tpu.memory_space<semaphore_mem>>)
      %dma_wait3A = arith.constant 0 : i32
      %dma_wait3A_20 = arith.constant 0 : i32
      %dma_wait3A_21 = tpu.memref_slice %arg3[%add3A, %dma_wait3A, %dma_wait3A_20] : memref<32x40x128xi32, #tpu.memory_space<hbm>> -> memref<1x40x128xi32, #tpu.memory_space<hbm>>
      %dma_wait3A_22 = tpu.memref_squeeze %dma_wait3A_21 : memref<1x40x128xi32, #tpu.memory_space<hbm>> -> memref<40x128xi32, #tpu.memory_space<hbm>>
      %dma_wait3A_23 = arith.constant 0 : i32
      %dma_wait3A_24 = arith.constant 0 : i32
      %dma_wait3A_25 = tpu.memref_slice %arg3[%add3A, %dma_wait3A_23, %dma_wait3A_24] : memref<32x40x128xi32, #tpu.memory_space<hbm>> -> memref<1x40x128xi32, #tpu.memory_space<hbm>>
      %dma_wait3A_26 = tpu.memref_squeeze %dma_wait3A_25 : memref<1x40x128xi32, #tpu.memory_space<hbm>> -> memref<40x128xi32, #tpu.memory_space<hbm>>
      tpu.wait_dma2 semaphore(%run_scoped3A : memref<!tpu.dma_semaphore, #tpu.memory_space<semaphore_mem>>) src(%dma_wait3A_26 : memref<40x128xi32, #tpu.memory_space<hbm>>) dst(%arg5 : memref<40x128xi32, #tpu.memory_space<vmem>>)
      tpu.yield
    }) : () -> ()
    %dma_start3A = arith.constant 0 : i32
    %dma_start3A_1 = arith.constant 0 : i32
    %dma_start3A_2 = tpu.memref_slice %arg5[%dma_start3A, %dma_start3A_1] : memref<40x128xi32, #tpu.memory_space<vmem>> -> memref<1x128xi32, #tpu.memory_space<vmem>>
    %dma_start3A_3 = tpu.memref_squeeze %dma_start3A_2 : memref<1x128xi32, #tpu.memory_space<vmem>> -> memref<128xi32, #tpu.memory_space<vmem>>
    %dma_start3A_4 = arith.constant 0 : i32
    %dma_start3A_5 = arith.constant 0 : i32
    %dma_start3A_6 = tpu.memref_slice %arg2[%dma_start3A_4, %dma_start3A_5] : memref<10240x128xf32, #tpu.memory_space<hbm>> -> memref<10240x128xf32, #tpu.memory_space<hbm>>
    tpu.enqueue_indirect_dma source(%dma_start3A_6 : memref<10240x128xf32, #tpu.memory_space<hbm>>) target(%arg6 : memref<128x128xf32, #tpu.memory_space<vmem>>) offsets(%dma_start3A_3 : memref<128xi32, #tpu.memory_space<vmem>>) semaphore(%arg8 : memref<!tpu.dma_semaphore, #tpu.memory_space<semaphore_mem>>)
    %scan3A = arith.constant 0 : i32
    %scan3A_7 = arith.constant 0 : i32
    %scan3A_8 = arith.constant 20 : i32
    %scan3A_9 = arith.addi %scan3A_7, %scan3A_8 : i32
    %scan3A_10 = arith.constant 1 : i32
    scf.for %scan3A_12 = %scan3A_7 to %scan3A_9 step %scan3A_10  : i32 {
      %mul3A_13 = arith.constant 2 : i32
      %mul3A_14 = arith.muli %scan3A_12, %mul3A_13 : i32
      %add3A_15 = arith.constant 0 : i32
      %add3A_16 = arith.addi %mul3A_14, %add3A_15 : i32
      %dma_wait3A = arith.constant 0 : i32
      %dma_wait3A_17 = tpu.memref_slice %arg5[%add3A_16, %dma_wait3A] : memref<40x128xi32, #tpu.memory_space<vmem>> -> memref<1x128xi32, #tpu.memory_space<vmem>>
      %dma_wait3A_18 = tpu.memref_squeeze %dma_wait3A_17 : memref<1x128xi32, #tpu.memory_space<vmem>> -> memref<128xi32, #tpu.memory_space<vmem>>
      %dma_wait3A_19 = arith.constant 0 : i32
      %dma_wait3A_20 = arith.constant 0 : i32
      %dma_wait3A_21 = tpu.memref_slice %arg2[%dma_wait3A_19, %dma_wait3A_20] : memref<10240x128xf32, #tpu.memory_space<hbm>> -> memref<10240x128xf32, #tpu.memory_space<hbm>>
      tpu.wait_indirect_dma semaphore(%arg8 : memref<!tpu.dma_semaphore, #tpu.memory_space<semaphore_mem>>) src(%dma_wait3A_21 : memref<10240x128xf32, #tpu.memory_space<hbm>>) dst(%arg6 : memref<128x128xf32, #tpu.memory_space<vmem>>)
      %add3A_22 = arith.constant 1 : i32
      %add3A_23 = arith.addi %add3A_16, %add3A_22 : i32
      %lt3A = arith.constant 40 : i32
      %lt3A_24 = arith.cmpi slt, %add3A_23, %lt3A : i32
      %convert_element_type3A = arith.extui %lt3A_24 : i1 to i32
      %cond3A = arith.constant 0 : i32
      %cond3A_25 = arith.cmpi ne, %convert_element_type3A, %cond3A : i32
      scf.if %cond3A_25 {
        %dma_start3A_53 = arith.constant 0 : i32
        %dma_start3A_54 = tpu.memref_slice %arg5[%add3A_23, %dma_start3A_53] : memref<40x128xi32, #tpu.memory_space<vmem>> -> memref<1x128xi32, #tpu.memory_space<vmem>>
        %dma_start3A_55 = tpu.memref_squeeze %dma_start3A_54 : memref<1x128xi32, #tpu.memory_space<vmem>> -> memref<128xi32, #tpu.memory_space<vmem>>
        %dma_start3A_56 = arith.constant 0 : i32
        %dma_start3A_57 = arith.constant 0 : i32
        %dma_start3A_58 = tpu.memref_slice %arg2[%dma_start3A_56, %dma_start3A_57] : memref<10240x128xf32, #tpu.memory_space<hbm>> -> memref<10240x128xf32, #tpu.memory_space<hbm>>
        tpu.enqueue_indirect_dma source(%dma_start3A_58 : memref<10240x128xf32, #tpu.memory_space<hbm>>) target(%arg7 : memref<128x128xf32, #tpu.memory_space<vmem>>) offsets(%dma_start3A_55 : memref<128xi32, #tpu.memory_space<vmem>>) semaphore(%arg9 : memref<!tpu.dma_semaphore, #tpu.memory_space<semaphore_mem>>)
      } else {
      }
      %mul3A_26 = arith.constant 5120 : i32
      %mul3A_27 = arith.muli %add3A, %mul3A_26 : i32
      %mul3A_28 = arith.constant 128 : i32
      %mul3A_29 = arith.muli %add3A_16, %mul3A_28 : i32
      %add3A_30 = arith.addi %mul3A_27, %mul3A_29 : i32
      "tpu.region"() ({
        %run_scoped3A = tpu.sem_alloc : memref<!tpu.dma_semaphore, #tpu.memory_space<semaphore_mem>>
        %dma_start3A_53 = arith.constant 0 : i32
        %dma_start3A_54 = tpu.memref_slice %arg4[%add3A_30, %dma_start3A_53] : memref<163840x128xf32, #tpu.memory_space<hbm>> -> memref<128x128xf32, #tpu.memory_space<hbm>>
        %dma_start3A_55 = arith.constant 0 : i32
        %dma_start3A_56 = tpu.memref_slice %arg4[%add3A_30, %dma_start3A_55] : memref<163840x128xf32, #tpu.memory_space<hbm>> -> memref<128x128xf32, #tpu.memory_space<hbm>>
        tpu.enqueue_dma source(%arg6 : memref<128x128xf32, #tpu.memory_space<vmem>>) target(%dma_start3A_56 : memref<128x128xf32, #tpu.memory_space<hbm>>) target_semaphore(%run_scoped3A : memref<!tpu.dma_semaphore, #tpu.memory_space<semaphore_mem>>)
        %dma_wait3A_57 = arith.constant 0 : i32
        %dma_wait3A_58 = tpu.memref_slice %arg4[%add3A_30, %dma_wait3A_57] : memref<163840x128xf32, #tpu.memory_space<hbm>> -> memref<128x128xf32, #tpu.memory_space<hbm>>
        %dma_wait3A_59 = arith.constant 0 : i32
        %dma_wait3A_60 = tpu.memref_slice %arg4[%add3A_30, %dma_wait3A_59] : memref<163840x128xf32, #tpu.memory_space<hbm>> -> memref<128x128xf32, #tpu.memory_space<hbm>>
        tpu.wait_dma2 semaphore(%run_scoped3A : memref<!tpu.dma_semaphore, #tpu.memory_space<semaphore_mem>>) src(%arg6 : memref<128x128xf32, #tpu.memory_space<vmem>>) dst(%dma_wait3A_60 : memref<128x128xf32, #tpu.memory_space<hbm>>)
        tpu.yield
      }) : () -> ()
      %mul3A_31 = arith.constant 2 : i32
      %mul3A_32 = arith.muli %scan3A_12, %mul3A_31 : i32
      %add3A_33 = arith.constant 1 : i32
      %add3A_34 = arith.addi %mul3A_32, %add3A_33 : i32
      %dma_wait3A_35 = arith.constant 0 : i32
      %dma_wait3A_36 = tpu.memref_slice %arg5[%add3A_34, %dma_wait3A_35] : memref<40x128xi32, #tpu.memory_space<vmem>> -> memref<1x128xi32, #tpu.memory_space<vmem>>
      %dma_wait3A_37 = tpu.memref_squeeze %dma_wait3A_36 : memref<1x128xi32, #tpu.memory_space<vmem>> -> memref<128xi32, #tpu.memory_space<vmem>>
      %dma_wait3A_38 = arith.constant 0 : i32
      %dma_wait3A_39 = arith.constant 0 : i32
      %dma_wait3A_40 = tpu.memref_slice %arg2[%dma_wait3A_38, %dma_wait3A_39] : memref<10240x128xf32, #tpu.memory_space<hbm>> -> memref<10240x128xf32, #tpu.memory_space<hbm>>
      tpu.wait_indirect_dma semaphore(%arg9 : memref<!tpu.dma_semaphore, #tpu.memory_space<semaphore_mem>>) src(%dma_wait3A_40 : memref<10240x128xf32, #tpu.memory_space<hbm>>) dst(%arg7 : memref<128x128xf32, #tpu.memory_space<vmem>>)
      %add3A_41 = arith.constant 1 : i32
      %add3A_42 = arith.addi %add3A_34, %add3A_41 : i32
      %lt3A_43 = arith.constant 40 : i32
      %lt3A_44 = arith.cmpi slt, %add3A_42, %lt3A_43 : i32
      %convert_element_type3A_45 = arith.extui %lt3A_44 : i1 to i32
      %cond3A_46 = arith.constant 0 : i32
      %cond3A_47 = arith.cmpi ne, %convert_element_type3A_45, %cond3A_46 : i32
      scf.if %cond3A_47 {
        %dma_start3A_53 = arith.constant 0 : i32
        %dma_start3A_54 = tpu.memref_slice %arg5[%add3A_42, %dma_start3A_53] : memref<40x128xi32, #tpu.memory_space<vmem>> -> memref<1x128xi32, #tpu.memory_space<vmem>>
        %dma_start3A_55 = tpu.memref_squeeze %dma_start3A_54 : memref<1x128xi32, #tpu.memory_space<vmem>> -> memref<128xi32, #tpu.memory_space<vmem>>
        %dma_start3A_56 = arith.constant 0 : i32
        %dma_start3A_57 = arith.constant 0 : i32
        %dma_start3A_58 = tpu.memref_slice %arg2[%dma_start3A_56, %dma_start3A_57] : memref<10240x128xf32, #tpu.memory_space<hbm>> -> memref<10240x128xf32, #tpu.memory_space<hbm>>
        tpu.enqueue_indirect_dma source(%dma_start3A_58 : memref<10240x128xf32, #tpu.memory_space<hbm>>) target(%arg6 : memref<128x128xf32, #tpu.memory_space<vmem>>) offsets(%dma_start3A_55 : memref<128xi32, #tpu.memory_space<vmem>>) semaphore(%arg8 : memref<!tpu.dma_semaphore, #tpu.memory_space<semaphore_mem>>)
      } else {
      }
      %mul3A_48 = arith.constant 5120 : i32
      %mul3A_49 = arith.muli %add3A, %mul3A_48 : i32
      %mul3A_50 = arith.constant 128 : i32
      %mul3A_51 = arith.muli %add3A_34, %mul3A_50 : i32
      %add3A_52 = arith.addi %mul3A_49, %mul3A_51 : i32
      "tpu.region"() ({
        %run_scoped3A = tpu.sem_alloc : memref<!tpu.dma_semaphore, #tpu.memory_space<semaphore_mem>>
        %dma_start3A_53 = arith.constant 0 : i32
        %dma_start3A_54 = tpu.memref_slice %arg4[%add3A_52, %dma_start3A_53] : memref<163840x128xf32, #tpu.memory_space<hbm>> -> memref<128x128xf32, #tpu.memory_space<hbm>>
        %dma_start3A_55 = arith.constant 0 : i32
        %dma_start3A_56 = tpu.memref_slice %arg4[%add3A_52, %dma_start3A_55] : memref<163840x128xf32, #tpu.memory_space<hbm>> -> memref<128x128xf32, #tpu.memory_space<hbm>>
        tpu.enqueue_dma source(%arg7 : memref<128x128xf32, #tpu.memory_space<vmem>>) target(%dma_start3A_56 : memref<128x128xf32, #tpu.memory_space<hbm>>) target_semaphore(%run_scoped3A : memref<!tpu.dma_semaphore, #tpu.memory_space<semaphore_mem>>)
        %dma_wait3A_57 = arith.constant 0 : i32
        %dma_wait3A_58 = tpu.memref_slice %arg4[%add3A_52, %dma_wait3A_57] : memref<163840x128xf32, #tpu.memory_space<hbm>> -> memref<128x128xf32, #tpu.memory_space<hbm>>
        %dma_wait3A_59 = arith.constant 0 : i32
        %dma_wait3A_60 = tpu.memref_slice %arg4[%add3A_52, %dma_wait3A_59] : memref<163840x128xf32, #tpu.memory_space<hbm>> -> memref<128x128xf32, #tpu.memory_space<hbm>>
        tpu.wait_dma2 semaphore(%run_scoped3A : memref<!tpu.dma_semaphore, #tpu.memory_space<semaphore_mem>>) src(%arg7 : memref<128x128xf32, #tpu.memory_space<vmem>>) dst(%dma_wait3A_60 : memref<128x128xf32, #tpu.memory_space<hbm>>)
        tpu.yield
      }) : () -> ()
    }
    %scan3A_11 = arith.constant 20 : i32
    return
  }
}

module attributes {stable_mosaic.version = 14 : i64} {
  func.func @_msg1_body(%arg0: i32, %arg1: memref<512x128xf32, #tpu.memory_space<vmem>>, %arg2: memref<512x2xf32, #tpu.memory_space<vmem>>, %arg3: memref<2x2048xf32, #tpu.memory_space<vmem>>, %arg4: memref<1x2048xf32, #tpu.memory_space<vmem>>, %arg5: memref<512x16xf32, #tpu.memory_space<vmem>>) attributes {dimension_semantics = [#tpu.dimension_semantics<arbitrary>], iteration_bounds = array<i64: 320>, scalar_prefetch = 0 : i64, scratch_operands = 0 : i64, tpu.core_type = #tpu.core_type<tc>, window_params = [{transform_indices = @transform_0, window_bounds = array<i64: 512, 128>}, {transform_indices = @transform_1, window_bounds = array<i64: 512, 2>}, {pipeline_mode = #tpu.pipeline_mode<synchronous>, transform_indices = @transform_2, window_bounds = array<i64: 2, 2048>}, {pipeline_mode = #tpu.pipeline_mode<synchronous>, transform_indices = @transform_3, window_bounds = array<i64: 1, 2048>}, {transform_indices = @transform_4, window_bounds = array<i64: 512, 16>}]} {
    %get3A = arith.constant 0 : index
    %get3A_0 = arith.constant 0 : index
    %get3A_1 = vector.load %arg2[%get3A, %get3A_0] : memref<512x2xf32, #tpu.memory_space<vmem>>, vector<512x2xf32>
    %get3A_2 = arith.constant 0 : index
    %get3A_3 = arith.constant 0 : index
    %get3A_4 = vector.load %arg3[%get3A_2, %get3A_3] : memref<2x2048xf32, #tpu.memory_space<vmem>>, vector<2x2048xf32>
    %dot_general3A = arith.constant dense<0.000000e+00> : vector<512x2048xf32>
    %dot_general3A_5 = tpu.matmul %get3A_1, %get3A_4, %dot_general3A {dimension_numbers = #tpu.dot_dimension_numbers<[1], [0], [0], [1], [0, 0, 1, 1], [], []>, transpose_lhs_hint = false} : vector<512x2xf32>, vector<2x2048xf32>, vector<512x2048xf32> -> vector<512x2048xf32>
    %get3A_6 = arith.constant 0 : index
    %get3A_7 = arith.constant 0 : index
    %get3A_8 = vector.load %arg4[%get3A_6, %get3A_7] : memref<1x2048xf32, #tpu.memory_space<vmem>>, vector<1x2048xf32>
    %add3A = vector.broadcast %get3A_8 : vector<1x2048xf32> to vector<512x2048xf32>
    %add3A_9 = arith.addf %dot_general3A_5, %add3A : vector<512x2048xf32>
    %max3A = arith.constant 0.000000e+00 : f32
    %max3A_10 = vector.broadcast %max3A : f32 to vector<512x2048xf32>
    %max3A_11 = arith.maximumf %add3A_9, %max3A_10 : vector<512x2048xf32>
    %get3A_12 = arith.constant 0 : index
    %get3A_13 = arith.constant 0 : index
    %get3A_14 = vector.load %arg1[%get3A_12, %get3A_13] : memref<512x128xf32, #tpu.memory_space<vmem>>, vector<512x128xf32>
    %slice3A = vector.extract_strided_slice %max3A_11 {offsets = [0, 0], sizes = [512, 128], strides = [1, 1]} : vector<512x2048xf32> to vector<512x128xf32>
    %mul3A = arith.mulf %slice3A, %get3A_14 : vector<512x128xf32>
    %reduce_sum3A = arith.constant dense<0.000000e+00> : vector<512xf32>
    %reduce_sum3A_15 = vector.multi_reduction <add>, %mul3A, %reduce_sum3A [1] : vector<512x128xf32> to vector<512xf32>
    %broadcast_in_dim3A = vector.shape_cast %reduce_sum3A_15 : vector<512xf32> to vector<512x1xf32>
    %slice3A_16 = vector.extract_strided_slice %max3A_11 {offsets = [0, 128], sizes = [512, 128], strides = [1, 1]} : vector<512x2048xf32> to vector<512x128xf32>
    %mul3A_17 = arith.mulf %slice3A_16, %get3A_14 : vector<512x128xf32>
    %reduce_sum3A_18 = arith.constant dense<0.000000e+00> : vector<512xf32>
    %reduce_sum3A_19 = vector.multi_reduction <add>, %mul3A_17, %reduce_sum3A_18 [1] : vector<512x128xf32> to vector<512xf32>
    %broadcast_in_dim3A_20 = vector.shape_cast %reduce_sum3A_19 : vector<512xf32> to vector<512x1xf32>
    %slice3A_21 = vector.extract_strided_slice %max3A_11 {offsets = [0, 256], sizes = [512, 128], strides = [1, 1]} : vector<512x2048xf32> to vector<512x128xf32>
    %mul3A_22 = arith.mulf %slice3A_21, %get3A_14 : vector<512x128xf32>
    %reduce_sum3A_23 = arith.constant dense<0.000000e+00> : vector<512xf32>
    %reduce_sum3A_24 = vector.multi_reduction <add>, %mul3A_22, %reduce_sum3A_23 [1] : vector<512x128xf32> to vector<512xf32>
    %broadcast_in_dim3A_25 = vector.shape_cast %reduce_sum3A_24 : vector<512xf32> to vector<512x1xf32>
    %slice3A_26 = vector.extract_strided_slice %max3A_11 {offsets = [0, 384], sizes = [512, 128], strides = [1, 1]} : vector<512x2048xf32> to vector<512x128xf32>
    %mul3A_27 = arith.mulf %slice3A_26, %get3A_14 : vector<512x128xf32>
    %reduce_sum3A_28 = arith.constant dense<0.000000e+00> : vector<512xf32>
    %reduce_sum3A_29 = vector.multi_reduction <add>, %mul3A_27, %reduce_sum3A_28 [1] : vector<512x128xf32> to vector<512xf32>
    %broadcast_in_dim3A_30 = vector.shape_cast %reduce_sum3A_29 : vector<512xf32> to vector<512x1xf32>
    %slice3A_31 = vector.extract_strided_slice %max3A_11 {offsets = [0, 512], sizes = [512, 128], strides = [1, 1]} : vector<512x2048xf32> to vector<512x128xf32>
    %mul3A_32 = arith.mulf %slice3A_31, %get3A_14 : vector<512x128xf32>
    %reduce_sum3A_33 = arith.constant dense<0.000000e+00> : vector<512xf32>
    %reduce_sum3A_34 = vector.multi_reduction <add>, %mul3A_32, %reduce_sum3A_33 [1] : vector<512x128xf32> to vector<512xf32>
    %broadcast_in_dim3A_35 = vector.shape_cast %reduce_sum3A_34 : vector<512xf32> to vector<512x1xf32>
    %slice3A_36 = vector.extract_strided_slice %max3A_11 {offsets = [0, 640], sizes = [512, 128], strides = [1, 1]} : vector<512x2048xf32> to vector<512x128xf32>
    %mul3A_37 = arith.mulf %slice3A_36, %get3A_14 : vector<512x128xf32>
    %reduce_sum3A_38 = arith.constant dense<0.000000e+00> : vector<512xf32>
    %reduce_sum3A_39 = vector.multi_reduction <add>, %mul3A_37, %reduce_sum3A_38 [1] : vector<512x128xf32> to vector<512xf32>
    %broadcast_in_dim3A_40 = vector.shape_cast %reduce_sum3A_39 : vector<512xf32> to vector<512x1xf32>
    %slice3A_41 = vector.extract_strided_slice %max3A_11 {offsets = [0, 768], sizes = [512, 128], strides = [1, 1]} : vector<512x2048xf32> to vector<512x128xf32>
    %mul3A_42 = arith.mulf %slice3A_41, %get3A_14 : vector<512x128xf32>
    %reduce_sum3A_43 = arith.constant dense<0.000000e+00> : vector<512xf32>
    %reduce_sum3A_44 = vector.multi_reduction <add>, %mul3A_42, %reduce_sum3A_43 [1] : vector<512x128xf32> to vector<512xf32>
    %broadcast_in_dim3A_45 = vector.shape_cast %reduce_sum3A_44 : vector<512xf32> to vector<512x1xf32>
    %slice3A_46 = vector.extract_strided_slice %max3A_11 {offsets = [0, 896], sizes = [512, 128], strides = [1, 1]} : vector<512x2048xf32> to vector<512x128xf32>
    %mul3A_47 = arith.mulf %slice3A_46, %get3A_14 : vector<512x128xf32>
    %reduce_sum3A_48 = arith.constant dense<0.000000e+00> : vector<512xf32>
    %reduce_sum3A_49 = vector.multi_reduction <add>, %mul3A_47, %reduce_sum3A_48 [1] : vector<512x128xf32> to vector<512xf32>
    %broadcast_in_dim3A_50 = vector.shape_cast %reduce_sum3A_49 : vector<512xf32> to vector<512x1xf32>
    %slice3A_51 = vector.extract_strided_slice %max3A_11 {offsets = [0, 1024], sizes = [512, 128], strides = [1, 1]} : vector<512x2048xf32> to vector<512x128xf32>
    %mul3A_52 = arith.mulf %slice3A_51, %get3A_14 : vector<512x128xf32>
    %reduce_sum3A_53 = arith.constant dense<0.000000e+00> : vector<512xf32>
    %reduce_sum3A_54 = vector.multi_reduction <add>, %mul3A_52, %reduce_sum3A_53 [1] : vector<512x128xf32> to vector<512xf32>
    %broadcast_in_dim3A_55 = vector.shape_cast %reduce_sum3A_54 : vector<512xf32> to vector<512x1xf32>
    %slice3A_56 = vector.extract_strided_slice %max3A_11 {offsets = [0, 1152], sizes = [512, 128], strides = [1, 1]} : vector<512x2048xf32> to vector<512x128xf32>
    %mul3A_57 = arith.mulf %slice3A_56, %get3A_14 : vector<512x128xf32>
    %reduce_sum3A_58 = arith.constant dense<0.000000e+00> : vector<512xf32>
    %reduce_sum3A_59 = vector.multi_reduction <add>, %mul3A_57, %reduce_sum3A_58 [1] : vector<512x128xf32> to vector<512xf32>
    %broadcast_in_dim3A_60 = vector.shape_cast %reduce_sum3A_59 : vector<512xf32> to vector<512x1xf32>
    %slice3A_61 = vector.extract_strided_slice %max3A_11 {offsets = [0, 1280], sizes = [512, 128], strides = [1, 1]} : vector<512x2048xf32> to vector<512x128xf32>
    %mul3A_62 = arith.mulf %slice3A_61, %get3A_14 : vector<512x128xf32>
    %reduce_sum3A_63 = arith.constant dense<0.000000e+00> : vector<512xf32>
    %reduce_sum3A_64 = vector.multi_reduction <add>, %mul3A_62, %reduce_sum3A_63 [1] : vector<512x128xf32> to vector<512xf32>
    %broadcast_in_dim3A_65 = vector.shape_cast %reduce_sum3A_64 : vector<512xf32> to vector<512x1xf32>
    %slice3A_66 = vector.extract_strided_slice %max3A_11 {offsets = [0, 1408], sizes = [512, 128], strides = [1, 1]} : vector<512x2048xf32> to vector<512x128xf32>
    %mul3A_67 = arith.mulf %slice3A_66, %get3A_14 : vector<512x128xf32>
    %reduce_sum3A_68 = arith.constant dense<0.000000e+00> : vector<512xf32>
    %reduce_sum3A_69 = vector.multi_reduction <add>, %mul3A_67, %reduce_sum3A_68 [1] : vector<512x128xf32> to vector<512xf32>
    %broadcast_in_dim3A_70 = vector.shape_cast %reduce_sum3A_69 : vector<512xf32> to vector<512x1xf32>
    %slice3A_71 = vector.extract_strided_slice %max3A_11 {offsets = [0, 1536], sizes = [512, 128], strides = [1, 1]} : vector<512x2048xf32> to vector<512x128xf32>
    %mul3A_72 = arith.mulf %slice3A_71, %get3A_14 : vector<512x128xf32>
    %reduce_sum3A_73 = arith.constant dense<0.000000e+00> : vector<512xf32>
    %reduce_sum3A_74 = vector.multi_reduction <add>, %mul3A_72, %reduce_sum3A_73 [1] : vector<512x128xf32> to vector<512xf32>
    %broadcast_in_dim3A_75 = vector.shape_cast %reduce_sum3A_74 : vector<512xf32> to vector<512x1xf32>
    %slice3A_76 = vector.extract_strided_slice %max3A_11 {offsets = [0, 1664], sizes = [512, 128], strides = [1, 1]} : vector<512x2048xf32> to vector<512x128xf32>
    %mul3A_77 = arith.mulf %slice3A_76, %get3A_14 : vector<512x128xf32>
    %reduce_sum3A_78 = arith.constant dense<0.000000e+00> : vector<512xf32>
    %reduce_sum3A_79 = vector.multi_reduction <add>, %mul3A_77, %reduce_sum3A_78 [1] : vector<512x128xf32> to vector<512xf32>
    %broadcast_in_dim3A_80 = vector.shape_cast %reduce_sum3A_79 : vector<512xf32> to vector<512x1xf32>
    %slice3A_81 = vector.extract_strided_slice %max3A_11 {offsets = [0, 1792], sizes = [512, 128], strides = [1, 1]} : vector<512x2048xf32> to vector<512x128xf32>
    %mul3A_82 = arith.mulf %slice3A_81, %get3A_14 : vector<512x128xf32>
    %reduce_sum3A_83 = arith.constant dense<0.000000e+00> : vector<512xf32>
    %reduce_sum3A_84 = vector.multi_reduction <add>, %mul3A_82, %reduce_sum3A_83 [1] : vector<512x128xf32> to vector<512xf32>
    %broadcast_in_dim3A_85 = vector.shape_cast %reduce_sum3A_84 : vector<512xf32> to vector<512x1xf32>
    %slice3A_86 = vector.extract_strided_slice %max3A_11 {offsets = [0, 1920], sizes = [512, 128], strides = [1, 1]} : vector<512x2048xf32> to vector<512x128xf32>
    %mul3A_87 = arith.mulf %slice3A_86, %get3A_14 : vector<512x128xf32>
    %reduce_sum3A_88 = arith.constant dense<0.000000e+00> : vector<512xf32>
    %reduce_sum3A_89 = vector.multi_reduction <add>, %mul3A_87, %reduce_sum3A_88 [1] : vector<512x128xf32> to vector<512xf32>
    %broadcast_in_dim3A_90 = vector.shape_cast %reduce_sum3A_89 : vector<512xf32> to vector<512x1xf32>
    %concatenate3A = tpu.concatenate %broadcast_in_dim3A, %broadcast_in_dim3A_20, %broadcast_in_dim3A_25, %broadcast_in_dim3A_30, %broadcast_in_dim3A_35, %broadcast_in_dim3A_40, %broadcast_in_dim3A_45, %broadcast_in_dim3A_50, %broadcast_in_dim3A_55, %broadcast_in_dim3A_60, %broadcast_in_dim3A_65, %broadcast_in_dim3A_70, %broadcast_in_dim3A_75, %broadcast_in_dim3A_80, %broadcast_in_dim3A_85, %broadcast_in_dim3A_90 in 1 : vector<512x1xf32>, vector<512x1xf32>, vector<512x1xf32>, vector<512x1xf32>, vector<512x1xf32>, vector<512x1xf32>, vector<512x1xf32>, vector<512x1xf32>, vector<512x1xf32>, vector<512x1xf32>, vector<512x1xf32>, vector<512x1xf32>, vector<512x1xf32>, vector<512x1xf32>, vector<512x1xf32>, vector<512x1xf32> -> vector<512x16xf32>
    %swap3A = arith.constant 0 : index
    %swap3A_91 = arith.constant 0 : index
    %swap3A_92 = vector.load %arg5[%swap3A, %swap3A_91] : memref<512x16xf32, #tpu.memory_space<vmem>>, vector<512x16xf32>
    tpu.vector_store %arg5[%swap3A, %swap3A_91], %concatenate3A {strides = array<i32>} : memref<512x16xf32, #tpu.memory_space<vmem>>, vector<512x16xf32>,
    return
  }
  func.func @transform_0(%arg0: i32) -> (i32, i32) {
    %c0_i32 = arith.constant 0 : i32
    %c0_i32_0 = arith.constant 0 : i32
    return %arg0, %c0_i32 : i32, i32
  }
  func.func @transform_1(%arg0: i32) -> (i32, i32) {
    %c0_i32 = arith.constant 0 : i32
    %c0_i32_0 = arith.constant 0 : i32
    return %arg0, %c0_i32 : i32, i32
  }
  func.func @transform_2(%arg0: i32) -> (i32, i32) {
    %c0_i32 = arith.constant 0 : i32
    %c0_i32_0 = arith.constant 0 : i32
    %c0_i32_1 = arith.constant 0 : i32
    return %c0_i32, %c0_i32_0 : i32, i32
  }
  func.func @transform_3(%arg0: i32) -> (i32, i32) {
    %c0_i32 = arith.constant 0 : i32
    %c0_i32_0 = arith.constant 0 : i32
    %c0_i32_1 = arith.constant 0 : i32
    return %c0_i32, %c0_i32_0 : i32, i32
  }
  func.func @transform_4(%arg0: i32) -> (i32, i32) {
    %c0_i32 = arith.constant 0 : i32
    %c0_i32_0 = arith.constant 0 : i32
    return %arg0, %c0_i32 : i32, i32
  }
}

module attributes {stable_mosaic.version = 14 : i64} {
  func.func @_agg_body(%arg0: i32, %arg1: memref<512x16xf32, #tpu.memory_space<vmem>>, %arg2: memref<1x1x512xi32, #tpu.memory_space<vmem>>, %arg3: memref<1x512x1xi32, #tpu.memory_space<vmem>>, %arg4: memref<10240x32xf32, #tpu.memory_space<vmem>>) attributes {dimension_semantics = [#tpu.dimension_semantics<arbitrary>], iteration_bounds = array<i64: 320>, scalar_prefetch = 0 : i64, scratch_operands = 0 : i64, tpu.core_type = #tpu.core_type<tc>, window_params = [{transform_indices = @transform_0, window_bounds = array<i64: 512, 16>}, {transform_indices = @transform_1, window_bounds = array<i64: 1, 1, 512>}, {transform_indices = @transform_2, window_bounds = array<i64: 1, 512, 1>}, {pipeline_mode = #tpu.pipeline_mode<synchronous>, transform_indices = @transform_3, window_bounds = array<i64: 10240, 32>}]} {
    %eq3A = arith.constant 0 : i32
    %eq3A_0 = arith.cmpi eq, %arg0, %eq3A : i32
    %convert_element_type3A = arith.extui %eq3A_0 : i1 to i32
    %cond3A = arith.constant 0 : i32
    %cond3A_1 = arith.cmpi ne, %convert_element_type3A, %cond3A : i32
    scf.if %cond3A_1 {
      %broadcast_in_dim3A_645 = arith.constant 0.000000e+00 : f32
      %broadcast_in_dim3A_646 = vector.broadcast %broadcast_in_dim3A_645 : f32 to vector<10240x32xf32>
      %swap3A_647 = arith.constant 0 : index
      %swap3A_648 = arith.constant 0 : index
      %swap3A_649 = vector.load %arg4[%swap3A_647, %swap3A_648] : memref<10240x32xf32, #tpu.memory_space<vmem>>, vector<10240x32xf32>
      tpu.vector_store %arg4[%swap3A_647, %swap3A_648], %broadcast_in_dim3A_646 {strides = array<i32>} : memref<10240x32xf32, #tpu.memory_space<vmem>>, vector<10240x32xf32>,
    } else {
    }
    %get3A = arith.constant 0 : index
    %get3A_2 = arith.constant 0 : index
    %get3A_3 = vector.load %arg1[%get3A, %get3A_2] : memref<512x16xf32, #tpu.memory_space<vmem>>, vector<512x16xf32>
    %broadcast_in_dim3A = arith.constant 1.000000e+00 : f32
    %broadcast_in_dim3A_4 = vector.broadcast %broadcast_in_dim3A : f32 to vector<512x1xf32>
    %broadcast_in_dim3A_5 = arith.constant 0.000000e+00 : f32
    %broadcast_in_dim3A_6 = vector.broadcast %broadcast_in_dim3A_5 : f32 to vector<512x15xf32>
    %concatenate3A = tpu.concatenate %get3A_3, %broadcast_in_dim3A_4, %broadcast_in_dim3A_6 in 1 : vector<512x16xf32>, vector<512x1xf32>, vector<512x15xf32> -> vector<512x32xf32>
    %get3A_7 = arith.constant 0 : index
    %get3A_8 = arith.constant 0 : index
    %get3A_9 = arith.constant 0 : index
    %get3A_10 = vector.load %arg2[%get3A_7, %get3A_8, %get3A_9] : memref<1x1x512xi32, #tpu.memory_space<vmem>>, vector<1x1x512xi32>
    %get3A_11 = vector.shape_cast %get3A_10 : vector<1x1x512xi32> to vector<1x512xi32>
    %get3A_12 = arith.constant 0 : index
    %get3A_13 = arith.constant 0 : index
    %get3A_14 = arith.constant 0 : index
    %get3A_15 = vector.load %arg3[%get3A_12, %get3A_13, %get3A_14] : memref<1x512x1xi32, #tpu.memory_space<vmem>>, vector<1x512x1xi32>
    %get3A_16 = vector.shape_cast %get3A_15 : vector<1x512x1xi32> to vector<512x1xi32>
    %rem3A = arith.constant 256 : i32
    %rem3A_17 = vector.broadcast %rem3A : i32 to vector<1x512xi32>
    %rem3A_18 = arith.remsi %get3A_11, %rem3A_17 : vector<1x512xi32>
    %iota3A = tpu.iota {dimensions = array<i32: 0>} : vector<256x512xi32>
    %eq3A_19 = vector.broadcast %rem3A_18 : vector<1x512xi32> to vector<256x512xi32>
    %eq3A_20 = arith.cmpi eq, %iota3A, %eq3A_19 : vector<256x512xi32>
    %convert_element_type3A_21 = arith.extui %eq3A_20 : vector<256x512xi1> to vector<256x512xi32>
    %convert_element_type3A_22 = arith.sitofp %convert_element_type3A_21 : vector<256x512xi32> to vector<256x512xf32>
    %jit3A = arith.constant 256 : i32
    %div3A = vector.broadcast %jit3A : i32 to vector<512x1xi32>
    %div3A_23 = arith.divsi %get3A_16, %div3A : vector<512x1xi32>
    %sign3A = arith.constant 0 : i32
    %sign3A_24 = vector.broadcast %sign3A : i32 to vector<512x1xi32>
    %sign3A_25 = arith.cmpi sgt, %get3A_16, %sign3A_24 : vector<512x1xi32>
    %sign3A_26 = arith.extui %sign3A_25 : vector<512x1xi1> to vector<512x1xi32>
    %sign3A_27 = arith.constant 0 : i32
    %sign3A_28 = vector.broadcast %sign3A_27 : i32 to vector<512x1xi32>
    %sign3A_29 = arith.cmpi slt, %get3A_16, %sign3A_28 : vector<512x1xi32>
    %sign3A_30 = arith.extui %sign3A_29 : vector<512x1xi1> to vector<512x1xi32>
    %sign3A_31 = arith.subi %sign3A_26, %sign3A_30 : vector<512x1xi32>
    %sign3A_32 = arith.constant 0 : i32
    %sign3A_33 = arith.cmpi sgt, %jit3A, %sign3A_32 : i32
    %sign3A_34 = arith.extui %sign3A_33 : i1 to i32
    %sign3A_35 = arith.constant 0 : i32
    %sign3A_36 = arith.cmpi slt, %jit3A, %sign3A_35 : i32
    %sign3A_37 = arith.extui %sign3A_36 : i1 to i32
    %sign3A_38 = arith.subi %sign3A_34, %sign3A_37 : i32
    %ne3A = vector.broadcast %sign3A_38 : i32 to vector<512x1xi32>
    %ne3A_39 = arith.cmpi ne, %sign3A_31, %ne3A : vector<512x1xi32>
    %rem3A_40 = vector.broadcast %jit3A : i32 to vector<512x1xi32>
    %rem3A_41 = arith.remsi %get3A_16, %rem3A_40 : vector<512x1xi32>
    %ne3A_42 = arith.constant 0 : i32
    %ne3A_43 = vector.broadcast %ne3A_42 : i32 to vector<512x1xi32>
    %ne3A_44 = arith.cmpi ne, %rem3A_41, %ne3A_43 : vector<512x1xi32>
    %and3A = arith.andi %ne3A_39, %ne3A_44 : vector<512x1xi1>
    %sub3A = arith.constant 1 : i32
    %sub3A_45 = vector.broadcast %sub3A : i32 to vector<512x1xi32>
    %sub3A_46 = arith.subi %div3A_23, %sub3A_45 : vector<512x1xi32>
    %select_n3A = arith.select %and3A, %sub3A_46, %div3A_23 : vector<512x1xi1>, vector<512x1xi32>
    %eq3A_47 = arith.constant 0 : i32
    %eq3A_48 = vector.broadcast %eq3A_47 : i32 to vector<512x1xi32>
    %eq3A_49 = arith.cmpi eq, %select_n3A, %eq3A_48 : vector<512x1xi32>
    %convert_element_type3A_50 = arith.extui %eq3A_49 : vector<512x1xi1> to vector<512x1xi32>
    %convert_element_type3A_51 = arith.sitofp %convert_element_type3A_50 : vector<512x1xi32> to vector<512x1xf32>
    %mul3A = vector.broadcast %convert_element_type3A_51 : vector<512x1xf32> to vector<512x32xf32>
    %mul3A_52 = arith.mulf %concatenate3A, %mul3A : vector<512x32xf32>
    %eq3A_53 = arith.constant 1 : i32
    %eq3A_54 = vector.broadcast %eq3A_53 : i32 to vector<512x1xi32>
    %eq3A_55 = arith.cmpi eq, %select_n3A, %eq3A_54 : vector<512x1xi32>
    %convert_element_type3A_56 = arith.extui %eq3A_55 : vector<512x1xi1> to vector<512x1xi32>
    %convert_element_type3A_57 = arith.sitofp %convert_element_type3A_56 : vector<512x1xi32> to vector<512x1xf32>
    %mul3A_58 = vector.broadcast %convert_element_type3A_57 : vector<512x1xf32> to vector<512x32xf32>
    %mul3A_59 = arith.mulf %concatenate3A, %mul3A_58 : vector<512x32xf32>
    %eq3A_60 = arith.constant 2 : i32
    %eq3A_61 = vector.broadcast %eq3A_60 : i32 to vector<512x1xi32>
    %eq3A_62 = arith.cmpi eq, %select_n3A, %eq3A_61 : vector<512x1xi32>
    %convert_element_type3A_63 = arith.extui %eq3A_62 : vector<512x1xi1> to vector<512x1xi32>
    %convert_element_type3A_64 = arith.sitofp %convert_element_type3A_63 : vector<512x1xi32> to vector<512x1xf32>
    %mul3A_65 = vector.broadcast %convert_element_type3A_64 : vector<512x1xf32> to vector<512x32xf32>
    %mul3A_66 = arith.mulf %concatenate3A, %mul3A_65 : vector<512x32xf32>
    %eq3A_67 = arith.constant 3 : i32
    %eq3A_68 = vector.broadcast %eq3A_67 : i32 to vector<512x1xi32>
    %eq3A_69 = arith.cmpi eq, %select_n3A, %eq3A_68 : vector<512x1xi32>
    %convert_element_type3A_70 = arith.extui %eq3A_69 : vector<512x1xi1> to vector<512x1xi32>
    %convert_element_type3A_71 = arith.sitofp %convert_element_type3A_70 : vector<512x1xi32> to vector<512x1xf32>
    %mul3A_72 = vector.broadcast %convert_element_type3A_71 : vector<512x1xf32> to vector<512x32xf32>
    %mul3A_73 = arith.mulf %concatenate3A, %mul3A_72 : vector<512x32xf32>
    %eq3A_74 = arith.constant 4 : i32
    %eq3A_75 = vector.broadcast %eq3A_74 : i32 to vector<512x1xi32>
    %eq3A_76 = arith.cmpi eq, %select_n3A, %eq3A_75 : vector<512x1xi32>
    %convert_element_type3A_77 = arith.extui %eq3A_76 : vector<512x1xi1> to vector<512x1xi32>
    %convert_element_type3A_78 = arith.sitofp %convert_element_type3A_77 : vector<512x1xi32> to vector<512x1xf32>
    %mul3A_79 = vector.broadcast %convert_element_type3A_78 : vector<512x1xf32> to vector<512x32xf32>
    %mul3A_80 = arith.mulf %concatenate3A, %mul3A_79 : vector<512x32xf32>
    %eq3A_81 = arith.constant 5 : i32
    %eq3A_82 = vector.broadcast %eq3A_81 : i32 to vector<512x1xi32>
    %eq3A_83 = arith.cmpi eq, %select_n3A, %eq3A_82 : vector<512x1xi32>
    %convert_element_type3A_84 = arith.extui %eq3A_83 : vector<512x1xi1> to vector<512x1xi32>
    %convert_element_type3A_85 = arith.sitofp %convert_element_type3A_84 : vector<512x1xi32> to vector<512x1xf32>
    %mul3A_86 = vector.broadcast %convert_element_type3A_85 : vector<512x1xf32> to vector<512x32xf32>
    %mul3A_87 = arith.mulf %concatenate3A, %mul3A_86 : vector<512x32xf32>
    %eq3A_88 = arith.constant 6 : i32
    %eq3A_89 = vector.broadcast %eq3A_88 : i32 to vector<512x1xi32>
    %eq3A_90 = arith.cmpi eq, %select_n3A, %eq3A_89 : vector<512x1xi32>
    %convert_element_type3A_91 = arith.extui %eq3A_90 : vector<512x1xi1> to vector<512x1xi32>
    %convert_element_type3A_92 = arith.sitofp %convert_element_type3A_91 : vector<512x1xi32> to vector<512x1xf32>
    %mul3A_93 = vector.broadcast %convert_element_type3A_92 : vector<512x1xf32> to vector<512x32xf32>
    %mul3A_94 = arith.mulf %concatenate3A, %mul3A_93 : vector<512x32xf32>
    %eq3A_95 = arith.constant 7 : i32
    %eq3A_96 = vector.broadcast %eq3A_95 : i32 to vector<512x1xi32>
    %eq3A_97 = arith.cmpi eq, %select_n3A, %eq3A_96 : vector<512x1xi32>
    %convert_element_type3A_98 = arith.extui %eq3A_97 : vector<512x1xi1> to vector<512x1xi32>
    %convert_element_type3A_99 = arith.sitofp %convert_element_type3A_98 : vector<512x1xi32> to vector<512x1xf32>
    %mul3A_100 = vector.broadcast %convert_element_type3A_99 : vector<512x1xf32> to vector<512x32xf32>
    %mul3A_101 = arith.mulf %concatenate3A, %mul3A_100 : vector<512x32xf32>
    %eq3A_102 = arith.constant 8 : i32
    %eq3A_103 = vector.broadcast %eq3A_102 : i32 to vector<512x1xi32>
    %eq3A_104 = arith.cmpi eq, %select_n3A, %eq3A_103 : vector<512x1xi32>
    %convert_element_type3A_105 = arith.extui %eq3A_104 : vector<512x1xi1> to vector<512x1xi32>
    %convert_element_type3A_106 = arith.sitofp %convert_element_type3A_105 : vector<512x1xi32> to vector<512x1xf32>
    %mul3A_107 = vector.broadcast %convert_element_type3A_106 : vector<512x1xf32> to vector<512x32xf32>
    %mul3A_108 = arith.mulf %concatenate3A, %mul3A_107 : vector<512x32xf32>
    %eq3A_109 = arith.constant 9 : i32
    %eq3A_110 = vector.broadcast %eq3A_109 : i32 to vector<512x1xi32>
    %eq3A_111 = arith.cmpi eq, %select_n3A, %eq3A_110 : vector<512x1xi32>
    %convert_element_type3A_112 = arith.extui %eq3A_111 : vector<512x1xi1> to vector<512x1xi32>
    %convert_element_type3A_113 = arith.sitofp %convert_element_type3A_112 : vector<512x1xi32> to vector<512x1xf32>
    %mul3A_114 = vector.broadcast %convert_element_type3A_113 : vector<512x1xf32> to vector<512x32xf32>
    %mul3A_115 = arith.mulf %concatenate3A, %mul3A_114 : vector<512x32xf32>
    %eq3A_116 = arith.constant 10 : i32
    %eq3A_117 = vector.broadcast %eq3A_116 : i32 to vector<512x1xi32>
    %eq3A_118 = arith.cmpi eq, %select_n3A, %eq3A_117 : vector<512x1xi32>
    %convert_element_type3A_119 = arith.extui %eq3A_118 : vector<512x1xi1> to vector<512x1xi32>
    %convert_element_type3A_120 = arith.sitofp %convert_element_type3A_119 : vector<512x1xi32> to vector<512x1xf32>
    %mul3A_121 = vector.broadcast %convert_element_type3A_120 : vector<512x1xf32> to vector<512x32xf32>
    %mul3A_122 = arith.mulf %concatenate3A, %mul3A_121 : vector<512x32xf32>
    %eq3A_123 = arith.constant 11 : i32
    %eq3A_124 = vector.broadcast %eq3A_123 : i32 to vector<512x1xi32>
    %eq3A_125 = arith.cmpi eq, %select_n3A, %eq3A_124 : vector<512x1xi32>
    %convert_element_type3A_126 = arith.extui %eq3A_125 : vector<512x1xi1> to vector<512x1xi32>
    %convert_element_type3A_127 = arith.sitofp %convert_element_type3A_126 : vector<512x1xi32> to vector<512x1xf32>
    %mul3A_128 = vector.broadcast %convert_element_type3A_127 : vector<512x1xf32> to vector<512x32xf32>
    %mul3A_129 = arith.mulf %concatenate3A, %mul3A_128 : vector<512x32xf32>
    %eq3A_130 = arith.constant 12 : i32
    %eq3A_131 = vector.broadcast %eq3A_130 : i32 to vector<512x1xi32>
    %eq3A_132 = arith.cmpi eq, %select_n3A, %eq3A_131 : vector<512x1xi32>
    %convert_element_type3A_133 = arith.extui %eq3A_132 : vector<512x1xi1> to vector<512x1xi32>
    %convert_element_type3A_134 = arith.sitofp %convert_element_type3A_133 : vector<512x1xi32> to vector<512x1xf32>
    %mul3A_135 = vector.broadcast %convert_element_type3A_134 : vector<512x1xf32> to vector<512x32xf32>
    %mul3A_136 = arith.mulf %concatenate3A, %mul3A_135 : vector<512x32xf32>
    %eq3A_137 = arith.constant 13 : i32
    %eq3A_138 = vector.broadcast %eq3A_137 : i32 to vector<512x1xi32>
    %eq3A_139 = arith.cmpi eq, %select_n3A, %eq3A_138 : vector<512x1xi32>
    %convert_element_type3A_140 = arith.extui %eq3A_139 : vector<512x1xi1> to vector<512x1xi32>
    %convert_element_type3A_141 = arith.sitofp %convert_element_type3A_140 : vector<512x1xi32> to vector<512x1xf32>
    %mul3A_142 = vector.broadcast %convert_element_type3A_141 : vector<512x1xf32> to vector<512x32xf32>
    %mul3A_143 = arith.mulf %concatenate3A, %mul3A_142 : vector<512x32xf32>
    %eq3A_144 = arith.constant 14 : i32
    %eq3A_145 = vector.broadcast %eq3A_144 : i32 to vector<512x1xi32>
    %eq3A_146 = arith.cmpi eq, %select_n3A, %eq3A_145 : vector<512x1xi32>
    %convert_element_type3A_147 = arith.extui %eq3A_146 : vector<512x1xi1> to vector<512x1xi32>
    %convert_element_type3A_148 = arith.sitofp %convert_element_type3A_147 : vector<512x1xi32> to vector<512x1xf32>
    %mul3A_149 = vector.broadcast %convert_element_type3A_148 : vector<512x1xf32> to vector<512x32xf32>
    %mul3A_150 = arith.mulf %concatenate3A, %mul3A_149 : vector<512x32xf32>
    %eq3A_151 = arith.constant 15 : i32
    %eq3A_152 = vector.broadcast %eq3A_151 : i32 to vector<512x1xi32>
    %eq3A_153 = arith.cmpi eq, %select_n3A, %eq3A_152 : vector<512x1xi32>
    %convert_element_type3A_154 = arith.extui %eq3A_153 : vector<512x1xi1> to vector<512x1xi32>
    %convert_element_type3A_155 = arith.sitofp %convert_element_type3A_154 : vector<512x1xi32> to vector<512x1xf32>
    %mul3A_156 = vector.broadcast %convert_element_type3A_155 : vector<512x1xf32> to vector<512x32xf32>
    %mul3A_157 = arith.mulf %concatenate3A, %mul3A_156 : vector<512x32xf32>
    %eq3A_158 = arith.constant 16 : i32
    %eq3A_159 = vector.broadcast %eq3A_158 : i32 to vector<512x1xi32>
    %eq3A_160 = arith.cmpi eq, %select_n3A, %eq3A_159 : vector<512x1xi32>
    %convert_element_type3A_161 = arith.extui %eq3A_160 : vector<512x1xi1> to vector<512x1xi32>
    %convert_element_type3A_162 = arith.sitofp %convert_element_type3A_161 : vector<512x1xi32> to vector<512x1xf32>
    %mul3A_163 = vector.broadcast %convert_element_type3A_162 : vector<512x1xf32> to vector<512x32xf32>
    %mul3A_164 = arith.mulf %concatenate3A, %mul3A_163 : vector<512x32xf32>
    %eq3A_165 = arith.constant 17 : i32
    %eq3A_166 = vector.broadcast %eq3A_165 : i32 to vector<512x1xi32>
    %eq3A_167 = arith.cmpi eq, %select_n3A, %eq3A_166 : vector<512x1xi32>
    %convert_element_type3A_168 = arith.extui %eq3A_167 : vector<512x1xi1> to vector<512x1xi32>
    %convert_element_type3A_169 = arith.sitofp %convert_element_type3A_168 : vector<512x1xi32> to vector<512x1xf32>
    %mul3A_170 = vector.broadcast %convert_element_type3A_169 : vector<512x1xf32> to vector<512x32xf32>
    %mul3A_171 = arith.mulf %concatenate3A, %mul3A_170 : vector<512x32xf32>
    %eq3A_172 = arith.constant 18 : i32
    %eq3A_173 = vector.broadcast %eq3A_172 : i32 to vector<512x1xi32>
    %eq3A_174 = arith.cmpi eq, %select_n3A, %eq3A_173 : vector<512x1xi32>
    %convert_element_type3A_175 = arith.extui %eq3A_174 : vector<512x1xi1> to vector<512x1xi32>
    %convert_element_type3A_176 = arith.sitofp %convert_element_type3A_175 : vector<512x1xi32> to vector<512x1xf32>
    %mul3A_177 = vector.broadcast %convert_element_type3A_176 : vector<512x1xf32> to vector<512x32xf32>
    %mul3A_178 = arith.mulf %concatenate3A, %mul3A_177 : vector<512x32xf32>
    %eq3A_179 = arith.constant 19 : i32
    %eq3A_180 = vector.broadcast %eq3A_179 : i32 to vector<512x1xi32>
    %eq3A_181 = arith.cmpi eq, %select_n3A, %eq3A_180 : vector<512x1xi32>
    %convert_element_type3A_182 = arith.extui %eq3A_181 : vector<512x1xi1> to vector<512x1xi32>
    %convert_element_type3A_183 = arith.sitofp %convert_element_type3A_182 : vector<512x1xi32> to vector<512x1xf32>
    %mul3A_184 = vector.broadcast %convert_element_type3A_183 : vector<512x1xf32> to vector<512x32xf32>
    %mul3A_185 = arith.mulf %concatenate3A, %mul3A_184 : vector<512x32xf32>
    %eq3A_186 = arith.constant 20 : i32
    %eq3A_187 = vector.broadcast %eq3A_186 : i32 to vector<512x1xi32>
    %eq3A_188 = arith.cmpi eq, %select_n3A, %eq3A_187 : vector<512x1xi32>
    %convert_element_type3A_189 = arith.extui %eq3A_188 : vector<512x1xi1> to vector<512x1xi32>
    %convert_element_type3A_190 = arith.sitofp %convert_element_type3A_189 : vector<512x1xi32> to vector<512x1xf32>
    %mul3A_191 = vector.broadcast %convert_element_type3A_190 : vector<512x1xf32> to vector<512x32xf32>
    %mul3A_192 = arith.mulf %concatenate3A, %mul3A_191 : vector<512x32xf32>
    %eq3A_193 = arith.constant 21 : i32
    %eq3A_194 = vector.broadcast %eq3A_193 : i32 to vector<512x1xi32>
    %eq3A_195 = arith.cmpi eq, %select_n3A, %eq3A_194 : vector<512x1xi32>
    %convert_element_type3A_196 = arith.extui %eq3A_195 : vector<512x1xi1> to vector<512x1xi32>
    %convert_element_type3A_197 = arith.sitofp %convert_element_type3A_196 : vector<512x1xi32> to vector<512x1xf32>
    %mul3A_198 = vector.broadcast %convert_element_type3A_197 : vector<512x1xf32> to vector<512x32xf32>
    %mul3A_199 = arith.mulf %concatenate3A, %mul3A_198 : vector<512x32xf32>
    %eq3A_200 = arith.constant 22 : i32
    %eq3A_201 = vector.broadcast %eq3A_200 : i32 to vector<512x1xi32>
    %eq3A_202 = arith.cmpi eq, %select_n3A, %eq3A_201 : vector<512x1xi32>
    %convert_element_type3A_203 = arith.extui %eq3A_202 : vector<512x1xi1> to vector<512x1xi32>
    %convert_element_type3A_204 = arith.sitofp %convert_element_type3A_203 : vector<512x1xi32> to vector<512x1xf32>
    %mul3A_205 = vector.broadcast %convert_element_type3A_204 : vector<512x1xf32> to vector<512x32xf32>
    %mul3A_206 = arith.mulf %concatenate3A, %mul3A_205 : vector<512x32xf32>
    %eq3A_207 = arith.constant 23 : i32
    %eq3A_208 = vector.broadcast %eq3A_207 : i32 to vector<512x1xi32>
    %eq3A_209 = arith.cmpi eq, %select_n3A, %eq3A_208 : vector<512x1xi32>
    %convert_element_type3A_210 = arith.extui %eq3A_209 : vector<512x1xi1> to vector<512x1xi32>
    %convert_element_type3A_211 = arith.sitofp %convert_element_type3A_210 : vector<512x1xi32> to vector<512x1xf32>
    %mul3A_212 = vector.broadcast %convert_element_type3A_211 : vector<512x1xf32> to vector<512x32xf32>
    %mul3A_213 = arith.mulf %concatenate3A, %mul3A_212 : vector<512x32xf32>
    %eq3A_214 = arith.constant 24 : i32
    %eq3A_215 = vector.broadcast %eq3A_214 : i32 to vector<512x1xi32>
    %eq3A_216 = arith.cmpi eq, %select_n3A, %eq3A_215 : vector<512x1xi32>
    %convert_element_type3A_217 = arith.extui %eq3A_216 : vector<512x1xi1> to vector<512x1xi32>
    %convert_element_type3A_218 = arith.sitofp %convert_element_type3A_217 : vector<512x1xi32> to vector<512x1xf32>
    %mul3A_219 = vector.broadcast %convert_element_type3A_218 : vector<512x1xf32> to vector<512x32xf32>
    %mul3A_220 = arith.mulf %concatenate3A, %mul3A_219 : vector<512x32xf32>
    %eq3A_221 = arith.constant 25 : i32
    %eq3A_222 = vector.broadcast %eq3A_221 : i32 to vector<512x1xi32>
    %eq3A_223 = arith.cmpi eq, %select_n3A, %eq3A_222 : vector<512x1xi32>
    %convert_element_type3A_224 = arith.extui %eq3A_223 : vector<512x1xi1> to vector<512x1xi32>
    %convert_element_type3A_225 = arith.sitofp %convert_element_type3A_224 : vector<512x1xi32> to vector<512x1xf32>
    %mul3A_226 = vector.broadcast %convert_element_type3A_225 : vector<512x1xf32> to vector<512x32xf32>
    %mul3A_227 = arith.mulf %concatenate3A, %mul3A_226 : vector<512x32xf32>
    %eq3A_228 = arith.constant 26 : i32
    %eq3A_229 = vector.broadcast %eq3A_228 : i32 to vector<512x1xi32>
    %eq3A_230 = arith.cmpi eq, %select_n3A, %eq3A_229 : vector<512x1xi32>
    %convert_element_type3A_231 = arith.extui %eq3A_230 : vector<512x1xi1> to vector<512x1xi32>
    %convert_element_type3A_232 = arith.sitofp %convert_element_type3A_231 : vector<512x1xi32> to vector<512x1xf32>
    %mul3A_233 = vector.broadcast %convert_element_type3A_232 : vector<512x1xf32> to vector<512x32xf32>
    %mul3A_234 = arith.mulf %concatenate3A, %mul3A_233 : vector<512x32xf32>
    %eq3A_235 = arith.constant 27 : i32
    %eq3A_236 = vector.broadcast %eq3A_235 : i32 to vector<512x1xi32>
    %eq3A_237 = arith.cmpi eq, %select_n3A, %eq3A_236 : vector<512x1xi32>
    %convert_element_type3A_238 = arith.extui %eq3A_237 : vector<512x1xi1> to vector<512x1xi32>
    %convert_element_type3A_239 = arith.sitofp %convert_element_type3A_238 : vector<512x1xi32> to vector<512x1xf32>
    %mul3A_240 = vector.broadcast %convert_element_type3A_239 : vector<512x1xf32> to vector<512x32xf32>
    %mul3A_241 = arith.mulf %concatenate3A, %mul3A_240 : vector<512x32xf32>
    %eq3A_242 = arith.constant 28 : i32
    %eq3A_243 = vector.broadcast %eq3A_242 : i32 to vector<512x1xi32>
    %eq3A_244 = arith.cmpi eq, %select_n3A, %eq3A_243 : vector<512x1xi32>
    %convert_element_type3A_245 = arith.extui %eq3A_244 : vector<512x1xi1> to vector<512x1xi32>
    %convert_element_type3A_246 = arith.sitofp %convert_element_type3A_245 : vector<512x1xi32> to vector<512x1xf32>
    %mul3A_247 = vector.broadcast %convert_element_type3A_246 : vector<512x1xf32> to vector<512x32xf32>
    %mul3A_248 = arith.mulf %concatenate3A, %mul3A_247 : vector<512x32xf32>
    %eq3A_249 = arith.constant 29 : i32
    %eq3A_250 = vector.broadcast %eq3A_249 : i32 to vector<512x1xi32>
    %eq3A_251 = arith.cmpi eq, %select_n3A, %eq3A_250 : vector<512x1xi32>
    %convert_element_type3A_252 = arith.extui %eq3A_251 : vector<512x1xi1> to vector<512x1xi32>
    %convert_element_type3A_253 = arith.sitofp %convert_element_type3A_252 : vector<512x1xi32> to vector<512x1xf32>
    %mul3A_254 = vector.broadcast %convert_element_type3A_253 : vector<512x1xf32> to vector<512x32xf32>
    %mul3A_255 = arith.mulf %concatenate3A, %mul3A_254 : vector<512x32xf32>
    %eq3A_256 = arith.constant 30 : i32
    %eq3A_257 = vector.broadcast %eq3A_256 : i32 to vector<512x1xi32>
    %eq3A_258 = arith.cmpi eq, %select_n3A, %eq3A_257 : vector<512x1xi32>
    %convert_element_type3A_259 = arith.extui %eq3A_258 : vector<512x1xi1> to vector<512x1xi32>
    %convert_element_type3A_260 = arith.sitofp %convert_element_type3A_259 : vector<512x1xi32> to vector<512x1xf32>
    %mul3A_261 = vector.broadcast %convert_element_type3A_260 : vector<512x1xf32> to vector<512x32xf32>
    %mul3A_262 = arith.mulf %concatenate3A, %mul3A_261 : vector<512x32xf32>
    %eq3A_263 = arith.constant 31 : i32
    %eq3A_264 = vector.broadcast %eq3A_263 : i32 to vector<512x1xi32>
    %eq3A_265 = arith.cmpi eq, %select_n3A, %eq3A_264 : vector<512x1xi32>
    %convert_element_type3A_266 = arith.extui %eq3A_265 : vector<512x1xi1> to vector<512x1xi32>
    %convert_element_type3A_267 = arith.sitofp %convert_element_type3A_266 : vector<512x1xi32> to vector<512x1xf32>
    %mul3A_268 = vector.broadcast %convert_element_type3A_267 : vector<512x1xf32> to vector<512x32xf32>
    %mul3A_269 = arith.mulf %concatenate3A, %mul3A_268 : vector<512x32xf32>
    %eq3A_270 = arith.constant 32 : i32
    %eq3A_271 = vector.broadcast %eq3A_270 : i32 to vector<512x1xi32>
    %eq3A_272 = arith.cmpi eq, %select_n3A, %eq3A_271 : vector<512x1xi32>
    %convert_element_type3A_273 = arith.extui %eq3A_272 : vector<512x1xi1> to vector<512x1xi32>
    %convert_element_type3A_274 = arith.sitofp %convert_element_type3A_273 : vector<512x1xi32> to vector<512x1xf32>
    %mul3A_275 = vector.broadcast %convert_element_type3A_274 : vector<512x1xf32> to vector<512x32xf32>
    %mul3A_276 = arith.mulf %concatenate3A, %mul3A_275 : vector<512x32xf32>
    %eq3A_277 = arith.constant 33 : i32
    %eq3A_278 = vector.broadcast %eq3A_277 : i32 to vector<512x1xi32>
    %eq3A_279 = arith.cmpi eq, %select_n3A, %eq3A_278 : vector<512x1xi32>
    %convert_element_type3A_280 = arith.extui %eq3A_279 : vector<512x1xi1> to vector<512x1xi32>
    %convert_element_type3A_281 = arith.sitofp %convert_element_type3A_280 : vector<512x1xi32> to vector<512x1xf32>
    %mul3A_282 = vector.broadcast %convert_element_type3A_281 : vector<512x1xf32> to vector<512x32xf32>
    %mul3A_283 = arith.mulf %concatenate3A, %mul3A_282 : vector<512x32xf32>
    %eq3A_284 = arith.constant 34 : i32
    %eq3A_285 = vector.broadcast %eq3A_284 : i32 to vector<512x1xi32>
    %eq3A_286 = arith.cmpi eq, %select_n3A, %eq3A_285 : vector<512x1xi32>
    %convert_element_type3A_287 = arith.extui %eq3A_286 : vector<512x1xi1> to vector<512x1xi32>
    %convert_element_type3A_288 = arith.sitofp %convert_element_type3A_287 : vector<512x1xi32> to vector<512x1xf32>
    %mul3A_289 = vector.broadcast %convert_element_type3A_288 : vector<512x1xf32> to vector<512x32xf32>
    %mul3A_290 = arith.mulf %concatenate3A, %mul3A_289 : vector<512x32xf32>
    %eq3A_291 = arith.constant 35 : i32
    %eq3A_292 = vector.broadcast %eq3A_291 : i32 to vector<512x1xi32>
    %eq3A_293 = arith.cmpi eq, %select_n3A, %eq3A_292 : vector<512x1xi32>
    %convert_element_type3A_294 = arith.extui %eq3A_293 : vector<512x1xi1> to vector<512x1xi32>
    %convert_element_type3A_295 = arith.sitofp %convert_element_type3A_294 : vector<512x1xi32> to vector<512x1xf32>
    %mul3A_296 = vector.broadcast %convert_element_type3A_295 : vector<512x1xf32> to vector<512x32xf32>
    %mul3A_297 = arith.mulf %concatenate3A, %mul3A_296 : vector<512x32xf32>
    %eq3A_298 = arith.constant 36 : i32
    %eq3A_299 = vector.broadcast %eq3A_298 : i32 to vector<512x1xi32>
    %eq3A_300 = arith.cmpi eq, %select_n3A, %eq3A_299 : vector<512x1xi32>
    %convert_element_type3A_301 = arith.extui %eq3A_300 : vector<512x1xi1> to vector<512x1xi32>
    %convert_element_type3A_302 = arith.sitofp %convert_element_type3A_301 : vector<512x1xi32> to vector<512x1xf32>
    %mul3A_303 = vector.broadcast %convert_element_type3A_302 : vector<512x1xf32> to vector<512x32xf32>
    %mul3A_304 = arith.mulf %concatenate3A, %mul3A_303 : vector<512x32xf32>
    %eq3A_305 = arith.constant 37 : i32
    %eq3A_306 = vector.broadcast %eq3A_305 : i32 to vector<512x1xi32>
    %eq3A_307 = arith.cmpi eq, %select_n3A, %eq3A_306 : vector<512x1xi32>
    %convert_element_type3A_308 = arith.extui %eq3A_307 : vector<512x1xi1> to vector<512x1xi32>
    %convert_element_type3A_309 = arith.sitofp %convert_element_type3A_308 : vector<512x1xi32> to vector<512x1xf32>
    %mul3A_310 = vector.broadcast %convert_element_type3A_309 : vector<512x1xf32> to vector<512x32xf32>
    %mul3A_311 = arith.mulf %concatenate3A, %mul3A_310 : vector<512x32xf32>
    %eq3A_312 = arith.constant 38 : i32
    %eq3A_313 = vector.broadcast %eq3A_312 : i32 to vector<512x1xi32>
    %eq3A_314 = arith.cmpi eq, %select_n3A, %eq3A_313 : vector<512x1xi32>
    %convert_element_type3A_315 = arith.extui %eq3A_314 : vector<512x1xi1> to vector<512x1xi32>
    %convert_element_type3A_316 = arith.sitofp %convert_element_type3A_315 : vector<512x1xi32> to vector<512x1xf32>
    %mul3A_317 = vector.broadcast %convert_element_type3A_316 : vector<512x1xf32> to vector<512x32xf32>
    %mul3A_318 = arith.mulf %concatenate3A, %mul3A_317 : vector<512x32xf32>
    %eq3A_319 = arith.constant 39 : i32
    %eq3A_320 = vector.broadcast %eq3A_319 : i32 to vector<512x1xi32>
    %eq3A_321 = arith.cmpi eq, %select_n3A, %eq3A_320 : vector<512x1xi32>
    %convert_element_type3A_322 = arith.extui %eq3A_321 : vector<512x1xi1> to vector<512x1xi32>
    %convert_element_type3A_323 = arith.sitofp %convert_element_type3A_322 : vector<512x1xi32> to vector<512x1xf32>
    %mul3A_324 = vector.broadcast %convert_element_type3A_323 : vector<512x1xf32> to vector<512x32xf32>
    %mul3A_325 = arith.mulf %concatenate3A, %mul3A_324 : vector<512x32xf32>
    %concatenate3A_326 = tpu.concatenate %mul3A_52, %mul3A_59, %mul3A_66, %mul3A_73, %mul3A_80, %mul3A_87, %mul3A_94, %mul3A_101, %mul3A_108, %mul3A_115, %mul3A_122, %mul3A_129, %mul3A_136, %mul3A_143, %mul3A_150, %mul3A_157, %mul3A_164, %mul3A_171, %mul3A_178, %mul3A_185, %mul3A_192, %mul3A_199, %mul3A_206, %mul3A_213, %mul3A_220, %mul3A_227, %mul3A_234, %mul3A_241, %mul3A_248, %mul3A_255, %mul3A_262, %mul3A_269, %mul3A_276, %mul3A_283, %mul3A_290, %mul3A_297, %mul3A_304, %mul3A_311, %mul3A_318, %mul3A_325 in 1 : vector<512x32xf32>, vector<512x32xf32>, vector<512x32xf32>, vector<512x32xf32>, vector<512x32xf32>, vector<512x32xf32>, vector<512x32xf32>, vector<512x32xf32>, vector<512x32xf32>, vector<512x32xf32>, vector<512x32xf32>, vector<512x32xf32>, vector<512x32xf32>, vector<512x32xf32>, vector<512x32xf32>, vector<512x32xf32>, vector<512x32xf32>, vector<512x32xf32>, vector<512x32xf32>, vector<512x32xf32>, vector<512x32xf32>, vector<512x32xf32>, vector<512x32xf32>, vector<512x32xf32>, vector<512x32xf32>, vector<512x32xf32>, vector<512x32xf32>, vector<512x32xf32>, vector<512x32xf32>, vector<512x32xf32>, vector<512x32xf32>, vector<512x32xf32>, vector<512x32xf32>, vector<512x32xf32>, vector<512x32xf32>, vector<512x32xf32>, vector<512x32xf32>, vector<512x32xf32>, vector<512x32xf32>, vector<512x32xf32> -> vector<512x1280xf32>
    %dot_general3A = arith.constant dense<0.000000e+00> : vector<256x1280xf32>
    %dot_general3A_327 = tpu.matmul %convert_element_type3A_22, %concatenate3A_326, %dot_general3A {dimension_numbers = #tpu.dot_dimension_numbers<[1], [0], [0], [1], [0, 0, 1, 1], [], []>, transpose_lhs_hint = false} : vector<256x512xf32>, vector<512x1280xf32>, vector<256x1280xf32> -> vector<256x1280xf32>
    %get3A_328 = arith.constant 0 : index
    %get3A_329 = arith.constant 0 : index
    %get3A_330 = vector.load %arg4[%get3A_328, %get3A_329] : memref<10240x32xf32, #tpu.memory_space<vmem>>, vector<256x32xf32>
    %slice3A = vector.extract_strided_slice %dot_general3A_327 {offsets = [0, 0], sizes = [256, 32], strides = [1, 1]} : vector<256x1280xf32> to vector<256x32xf32>
    %add3A = arith.addf %get3A_330, %slice3A : vector<256x32xf32>
    %swap3A = arith.constant 0 : index
    %swap3A_331 = arith.constant 0 : index
    %swap3A_332 = vector.load %arg4[%swap3A, %swap3A_331] : memref<10240x32xf32, #tpu.memory_space<vmem>>, vector<256x32xf32>
    tpu.vector_store %arg4[%swap3A, %swap3A_331], %add3A {strides = array<i32>} : memref<10240x32xf32, #tpu.memory_space<vmem>>, vector<256x32xf32>,
    %get3A_333 = arith.constant 256 : index
    %get3A_334 = arith.constant 0 : index
    %get3A_335 = vector.load %arg4[%get3A_333, %get3A_334] : memref<10240x32xf32, #tpu.memory_space<vmem>>, vector<256x32xf32>
    %slice3A_336 = vector.extract_strided_slice %dot_general3A_327 {offsets = [0, 32], sizes = [256, 32], strides = [1, 1]} : vector<256x1280xf32> to vector<256x32xf32>
    %add3A_337 = arith.addf %get3A_335, %slice3A_336 : vector<256x32xf32>
    %swap3A_338 = arith.constant 256 : index
    %swap3A_339 = arith.constant 0 : index
    %swap3A_340 = vector.load %arg4[%swap3A_338, %swap3A_339] : memref<10240x32xf32, #tpu.memory_space<vmem>>, vector<256x32xf32>
    tpu.vector_store %arg4[%swap3A_338, %swap3A_339], %add3A_337 {strides = array<i32>} : memref<10240x32xf32, #tpu.memory_space<vmem>>, vector<256x32xf32>,
    %get3A_341 = arith.constant 512 : index
    %get3A_342 = arith.constant 0 : index
    %get3A_343 = vector.load %arg4[%get3A_341, %get3A_342] : memref<10240x32xf32, #tpu.memory_space<vmem>>, vector<256x32xf32>
    %slice3A_344 = vector.extract_strided_slice %dot_general3A_327 {offsets = [0, 64], sizes = [256, 32], strides = [1, 1]} : vector<256x1280xf32> to vector<256x32xf32>
    %add3A_345 = arith.addf %get3A_343, %slice3A_344 : vector<256x32xf32>
    %swap3A_346 = arith.constant 512 : index
    %swap3A_347 = arith.constant 0 : index
    %swap3A_348 = vector.load %arg4[%swap3A_346, %swap3A_347] : memref<10240x32xf32, #tpu.memory_space<vmem>>, vector<256x32xf32>
    tpu.vector_store %arg4[%swap3A_346, %swap3A_347], %add3A_345 {strides = array<i32>} : memref<10240x32xf32, #tpu.memory_space<vmem>>, vector<256x32xf32>,
    %get3A_349 = arith.constant 768 : index
    %get3A_350 = arith.constant 0 : index
    %get3A_351 = vector.load %arg4[%get3A_349, %get3A_350] : memref<10240x32xf32, #tpu.memory_space<vmem>>, vector<256x32xf32>
    %slice3A_352 = vector.extract_strided_slice %dot_general3A_327 {offsets = [0, 96], sizes = [256, 32], strides = [1, 1]} : vector<256x1280xf32> to vector<256x32xf32>
    %add3A_353 = arith.addf %get3A_351, %slice3A_352 : vector<256x32xf32>
    %swap3A_354 = arith.constant 768 : index
    %swap3A_355 = arith.constant 0 : index
    %swap3A_356 = vector.load %arg4[%swap3A_354, %swap3A_355] : memref<10240x32xf32, #tpu.memory_space<vmem>>, vector<256x32xf32>
    tpu.vector_store %arg4[%swap3A_354, %swap3A_355], %add3A_353 {strides = array<i32>} : memref<10240x32xf32, #tpu.memory_space<vmem>>, vector<256x32xf32>,
    %get3A_357 = arith.constant 1024 : index
    %get3A_358 = arith.constant 0 : index
    %get3A_359 = vector.load %arg4[%get3A_357, %get3A_358] : memref<10240x32xf32, #tpu.memory_space<vmem>>, vector<256x32xf32>
    %slice3A_360 = vector.extract_strided_slice %dot_general3A_327 {offsets = [0, 128], sizes = [256, 32], strides = [1, 1]} : vector<256x1280xf32> to vector<256x32xf32>
    %add3A_361 = arith.addf %get3A_359, %slice3A_360 : vector<256x32xf32>
    %swap3A_362 = arith.constant 1024 : index
    %swap3A_363 = arith.constant 0 : index
    %swap3A_364 = vector.load %arg4[%swap3A_362, %swap3A_363] : memref<10240x32xf32, #tpu.memory_space<vmem>>, vector<256x32xf32>
    tpu.vector_store %arg4[%swap3A_362, %swap3A_363], %add3A_361 {strides = array<i32>} : memref<10240x32xf32, #tpu.memory_space<vmem>>, vector<256x32xf32>,
    %get3A_365 = arith.constant 1280 : index
    %get3A_366 = arith.constant 0 : index
    %get3A_367 = vector.load %arg4[%get3A_365, %get3A_366] : memref<10240x32xf32, #tpu.memory_space<vmem>>, vector<256x32xf32>
    %slice3A_368 = vector.extract_strided_slice %dot_general3A_327 {offsets = [0, 160], sizes = [256, 32], strides = [1, 1]} : vector<256x1280xf32> to vector<256x32xf32>
    %add3A_369 = arith.addf %get3A_367, %slice3A_368 : vector<256x32xf32>
    %swap3A_370 = arith.constant 1280 : index
    %swap3A_371 = arith.constant 0 : index
    %swap3A_372 = vector.load %arg4[%swap3A_370, %swap3A_371] : memref<10240x32xf32, #tpu.memory_space<vmem>>, vector<256x32xf32>
    tpu.vector_store %arg4[%swap3A_370, %swap3A_371], %add3A_369 {strides = array<i32>} : memref<10240x32xf32, #tpu.memory_space<vmem>>, vector<256x32xf32>,
    %get3A_373 = arith.constant 1536 : index
    %get3A_374 = arith.constant 0 : index
    %get3A_375 = vector.load %arg4[%get3A_373, %get3A_374] : memref<10240x32xf32, #tpu.memory_space<vmem>>, vector<256x32xf32>
    %slice3A_376 = vector.extract_strided_slice %dot_general3A_327 {offsets = [0, 192], sizes = [256, 32], strides = [1, 1]} : vector<256x1280xf32> to vector<256x32xf32>
    %add3A_377 = arith.addf %get3A_375, %slice3A_376 : vector<256x32xf32>
    %swap3A_378 = arith.constant 1536 : index
    %swap3A_379 = arith.constant 0 : index
    %swap3A_380 = vector.load %arg4[%swap3A_378, %swap3A_379] : memref<10240x32xf32, #tpu.memory_space<vmem>>, vector<256x32xf32>
    tpu.vector_store %arg4[%swap3A_378, %swap3A_379], %add3A_377 {strides = array<i32>} : memref<10240x32xf32, #tpu.memory_space<vmem>>, vector<256x32xf32>,
    %get3A_381 = arith.constant 1792 : index
    %get3A_382 = arith.constant 0 : index
    %get3A_383 = vector.load %arg4[%get3A_381, %get3A_382] : memref<10240x32xf32, #tpu.memory_space<vmem>>, vector<256x32xf32>
    %slice3A_384 = vector.extract_strided_slice %dot_general3A_327 {offsets = [0, 224], sizes = [256, 32], strides = [1, 1]} : vector<256x1280xf32> to vector<256x32xf32>
    %add3A_385 = arith.addf %get3A_383, %slice3A_384 : vector<256x32xf32>
    %swap3A_386 = arith.constant 1792 : index
    %swap3A_387 = arith.constant 0 : index
    %swap3A_388 = vector.load %arg4[%swap3A_386, %swap3A_387] : memref<10240x32xf32, #tpu.memory_space<vmem>>, vector<256x32xf32>
    tpu.vector_store %arg4[%swap3A_386, %swap3A_387], %add3A_385 {strides = array<i32>} : memref<10240x32xf32, #tpu.memory_space<vmem>>, vector<256x32xf32>,
    %get3A_389 = arith.constant 2048 : index
    %get3A_390 = arith.constant 0 : index
    %get3A_391 = vector.load %arg4[%get3A_389, %get3A_390] : memref<10240x32xf32, #tpu.memory_space<vmem>>, vector<256x32xf32>
    %slice3A_392 = vector.extract_strided_slice %dot_general3A_327 {offsets = [0, 256], sizes = [256, 32], strides = [1, 1]} : vector<256x1280xf32> to vector<256x32xf32>
    %add3A_393 = arith.addf %get3A_391, %slice3A_392 : vector<256x32xf32>
    %swap3A_394 = arith.constant 2048 : index
    %swap3A_395 = arith.constant 0 : index
    %swap3A_396 = vector.load %arg4[%swap3A_394, %swap3A_395] : memref<10240x32xf32, #tpu.memory_space<vmem>>, vector<256x32xf32>
    tpu.vector_store %arg4[%swap3A_394, %swap3A_395], %add3A_393 {strides = array<i32>} : memref<10240x32xf32, #tpu.memory_space<vmem>>, vector<256x32xf32>,
    %get3A_397 = arith.constant 2304 : index
    %get3A_398 = arith.constant 0 : index
    %get3A_399 = vector.load %arg4[%get3A_397, %get3A_398] : memref<10240x32xf32, #tpu.memory_space<vmem>>, vector<256x32xf32>
    %slice3A_400 = vector.extract_strided_slice %dot_general3A_327 {offsets = [0, 288], sizes = [256, 32], strides = [1, 1]} : vector<256x1280xf32> to vector<256x32xf32>
    %add3A_401 = arith.addf %get3A_399, %slice3A_400 : vector<256x32xf32>
    %swap3A_402 = arith.constant 2304 : index
    %swap3A_403 = arith.constant 0 : index
    %swap3A_404 = vector.load %arg4[%swap3A_402, %swap3A_403] : memref<10240x32xf32, #tpu.memory_space<vmem>>, vector<256x32xf32>
    tpu.vector_store %arg4[%swap3A_402, %swap3A_403], %add3A_401 {strides = array<i32>} : memref<10240x32xf32, #tpu.memory_space<vmem>>, vector<256x32xf32>,
    %get3A_405 = arith.constant 2560 : index
    %get3A_406 = arith.constant 0 : index
    %get3A_407 = vector.load %arg4[%get3A_405, %get3A_406] : memref<10240x32xf32, #tpu.memory_space<vmem>>, vector<256x32xf32>
    %slice3A_408 = vector.extract_strided_slice %dot_general3A_327 {offsets = [0, 320], sizes = [256, 32], strides = [1, 1]} : vector<256x1280xf32> to vector<256x32xf32>
    %add3A_409 = arith.addf %get3A_407, %slice3A_408 : vector<256x32xf32>
    %swap3A_410 = arith.constant 2560 : index
    %swap3A_411 = arith.constant 0 : index
    %swap3A_412 = vector.load %arg4[%swap3A_410, %swap3A_411] : memref<10240x32xf32, #tpu.memory_space<vmem>>, vector<256x32xf32>
    tpu.vector_store %arg4[%swap3A_410, %swap3A_411], %add3A_409 {strides = array<i32>} : memref<10240x32xf32, #tpu.memory_space<vmem>>, vector<256x32xf32>,
    %get3A_413 = arith.constant 2816 : index
    %get3A_414 = arith.constant 0 : index
    %get3A_415 = vector.load %arg4[%get3A_413, %get3A_414] : memref<10240x32xf32, #tpu.memory_space<vmem>>, vector<256x32xf32>
    %slice3A_416 = vector.extract_strided_slice %dot_general3A_327 {offsets = [0, 352], sizes = [256, 32], strides = [1, 1]} : vector<256x1280xf32> to vector<256x32xf32>
    %add3A_417 = arith.addf %get3A_415, %slice3A_416 : vector<256x32xf32>
    %swap3A_418 = arith.constant 2816 : index
    %swap3A_419 = arith.constant 0 : index
    %swap3A_420 = vector.load %arg4[%swap3A_418, %swap3A_419] : memref<10240x32xf32, #tpu.memory_space<vmem>>, vector<256x32xf32>
    tpu.vector_store %arg4[%swap3A_418, %swap3A_419], %add3A_417 {strides = array<i32>} : memref<10240x32xf32, #tpu.memory_space<vmem>>, vector<256x32xf32>,
    %get3A_421 = arith.constant 3072 : index
    %get3A_422 = arith.constant 0 : index
    %get3A_423 = vector.load %arg4[%get3A_421, %get3A_422] : memref<10240x32xf32, #tpu.memory_space<vmem>>, vector<256x32xf32>
    %slice3A_424 = vector.extract_strided_slice %dot_general3A_327 {offsets = [0, 384], sizes = [256, 32], strides = [1, 1]} : vector<256x1280xf32> to vector<256x32xf32>
    %add3A_425 = arith.addf %get3A_423, %slice3A_424 : vector<256x32xf32>
    %swap3A_426 = arith.constant 3072 : index
    %swap3A_427 = arith.constant 0 : index
    %swap3A_428 = vector.load %arg4[%swap3A_426, %swap3A_427] : memref<10240x32xf32, #tpu.memory_space<vmem>>, vector<256x32xf32>
    tpu.vector_store %arg4[%swap3A_426, %swap3A_427], %add3A_425 {strides = array<i32>} : memref<10240x32xf32, #tpu.memory_space<vmem>>, vector<256x32xf32>,
    %get3A_429 = arith.constant 3328 : index
    %get3A_430 = arith.constant 0 : index
    %get3A_431 = vector.load %arg4[%get3A_429, %get3A_430] : memref<10240x32xf32, #tpu.memory_space<vmem>>, vector<256x32xf32>
    %slice3A_432 = vector.extract_strided_slice %dot_general3A_327 {offsets = [0, 416], sizes = [256, 32], strides = [1, 1]} : vector<256x1280xf32> to vector<256x32xf32>
    %add3A_433 = arith.addf %get3A_431, %slice3A_432 : vector<256x32xf32>
    %swap3A_434 = arith.constant 3328 : index
    %swap3A_435 = arith.constant 0 : index
    %swap3A_436 = vector.load %arg4[%swap3A_434, %swap3A_435] : memref<10240x32xf32, #tpu.memory_space<vmem>>, vector<256x32xf32>
    tpu.vector_store %arg4[%swap3A_434, %swap3A_435], %add3A_433 {strides = array<i32>} : memref<10240x32xf32, #tpu.memory_space<vmem>>, vector<256x32xf32>,
    %get3A_437 = arith.constant 3584 : index
    %get3A_438 = arith.constant 0 : index
    %get3A_439 = vector.load %arg4[%get3A_437, %get3A_438] : memref<10240x32xf32, #tpu.memory_space<vmem>>, vector<256x32xf32>
    %slice3A_440 = vector.extract_strided_slice %dot_general3A_327 {offsets = [0, 448], sizes = [256, 32], strides = [1, 1]} : vector<256x1280xf32> to vector<256x32xf32>
    %add3A_441 = arith.addf %get3A_439, %slice3A_440 : vector<256x32xf32>
    %swap3A_442 = arith.constant 3584 : index
    %swap3A_443 = arith.constant 0 : index
    %swap3A_444 = vector.load %arg4[%swap3A_442, %swap3A_443] : memref<10240x32xf32, #tpu.memory_space<vmem>>, vector<256x32xf32>
    tpu.vector_store %arg4[%swap3A_442, %swap3A_443], %add3A_441 {strides = array<i32>} : memref<10240x32xf32, #tpu.memory_space<vmem>>, vector<256x32xf32>,
    %get3A_445 = arith.constant 3840 : index
    %get3A_446 = arith.constant 0 : index
    %get3A_447 = vector.load %arg4[%get3A_445, %get3A_446] : memref<10240x32xf32, #tpu.memory_space<vmem>>, vector<256x32xf32>
    %slice3A_448 = vector.extract_strided_slice %dot_general3A_327 {offsets = [0, 480], sizes = [256, 32], strides = [1, 1]} : vector<256x1280xf32> to vector<256x32xf32>
    %add3A_449 = arith.addf %get3A_447, %slice3A_448 : vector<256x32xf32>
    %swap3A_450 = arith.constant 3840 : index
    %swap3A_451 = arith.constant 0 : index
    %swap3A_452 = vector.load %arg4[%swap3A_450, %swap3A_451] : memref<10240x32xf32, #tpu.memory_space<vmem>>, vector<256x32xf32>
    tpu.vector_store %arg4[%swap3A_450, %swap3A_451], %add3A_449 {strides = array<i32>} : memref<10240x32xf32, #tpu.memory_space<vmem>>, vector<256x32xf32>,
    %get3A_453 = arith.constant 4096 : index
    %get3A_454 = arith.constant 0 : index
    %get3A_455 = vector.load %arg4[%get3A_453, %get3A_454] : memref<10240x32xf32, #tpu.memory_space<vmem>>, vector<256x32xf32>
    %slice3A_456 = vector.extract_strided_slice %dot_general3A_327 {offsets = [0, 512], sizes = [256, 32], strides = [1, 1]} : vector<256x1280xf32> to vector<256x32xf32>
    %add3A_457 = arith.addf %get3A_455, %slice3A_456 : vector<256x32xf32>
    %swap3A_458 = arith.constant 4096 : index
    %swap3A_459 = arith.constant 0 : index
    %swap3A_460 = vector.load %arg4[%swap3A_458, %swap3A_459] : memref<10240x32xf32, #tpu.memory_space<vmem>>, vector<256x32xf32>
    tpu.vector_store %arg4[%swap3A_458, %swap3A_459], %add3A_457 {strides = array<i32>} : memref<10240x32xf32, #tpu.memory_space<vmem>>, vector<256x32xf32>,
    %get3A_461 = arith.constant 4352 : index
    %get3A_462 = arith.constant 0 : index
    %get3A_463 = vector.load %arg4[%get3A_461, %get3A_462] : memref<10240x32xf32, #tpu.memory_space<vmem>>, vector<256x32xf32>
    %slice3A_464 = vector.extract_strided_slice %dot_general3A_327 {offsets = [0, 544], sizes = [256, 32], strides = [1, 1]} : vector<256x1280xf32> to vector<256x32xf32>
    %add3A_465 = arith.addf %get3A_463, %slice3A_464 : vector<256x32xf32>
    %swap3A_466 = arith.constant 4352 : index
    %swap3A_467 = arith.constant 0 : index
    %swap3A_468 = vector.load %arg4[%swap3A_466, %swap3A_467] : memref<10240x32xf32, #tpu.memory_space<vmem>>, vector<256x32xf32>
    tpu.vector_store %arg4[%swap3A_466, %swap3A_467], %add3A_465 {strides = array<i32>} : memref<10240x32xf32, #tpu.memory_space<vmem>>, vector<256x32xf32>,
    %get3A_469 = arith.constant 4608 : index
    %get3A_470 = arith.constant 0 : index
    %get3A_471 = vector.load %arg4[%get3A_469, %get3A_470] : memref<10240x32xf32, #tpu.memory_space<vmem>>, vector<256x32xf32>
    %slice3A_472 = vector.extract_strided_slice %dot_general3A_327 {offsets = [0, 576], sizes = [256, 32], strides = [1, 1]} : vector<256x1280xf32> to vector<256x32xf32>
    %add3A_473 = arith.addf %get3A_471, %slice3A_472 : vector<256x32xf32>
    %swap3A_474 = arith.constant 4608 : index
    %swap3A_475 = arith.constant 0 : index
    %swap3A_476 = vector.load %arg4[%swap3A_474, %swap3A_475] : memref<10240x32xf32, #tpu.memory_space<vmem>>, vector<256x32xf32>
    tpu.vector_store %arg4[%swap3A_474, %swap3A_475], %add3A_473 {strides = array<i32>} : memref<10240x32xf32, #tpu.memory_space<vmem>>, vector<256x32xf32>,
    %get3A_477 = arith.constant 4864 : index
    %get3A_478 = arith.constant 0 : index
    %get3A_479 = vector.load %arg4[%get3A_477, %get3A_478] : memref<10240x32xf32, #tpu.memory_space<vmem>>, vector<256x32xf32>
    %slice3A_480 = vector.extract_strided_slice %dot_general3A_327 {offsets = [0, 608], sizes = [256, 32], strides = [1, 1]} : vector<256x1280xf32> to vector<256x32xf32>
    %add3A_481 = arith.addf %get3A_479, %slice3A_480 : vector<256x32xf32>
    %swap3A_482 = arith.constant 4864 : index
    %swap3A_483 = arith.constant 0 : index
    %swap3A_484 = vector.load %arg4[%swap3A_482, %swap3A_483] : memref<10240x32xf32, #tpu.memory_space<vmem>>, vector<256x32xf32>
    tpu.vector_store %arg4[%swap3A_482, %swap3A_483], %add3A_481 {strides = array<i32>} : memref<10240x32xf32, #tpu.memory_space<vmem>>, vector<256x32xf32>,
    %get3A_485 = arith.constant 5120 : index
    %get3A_486 = arith.constant 0 : index
    %get3A_487 = vector.load %arg4[%get3A_485, %get3A_486] : memref<10240x32xf32, #tpu.memory_space<vmem>>, vector<256x32xf32>
    %slice3A_488 = vector.extract_strided_slice %dot_general3A_327 {offsets = [0, 640], sizes = [256, 32], strides = [1, 1]} : vector<256x1280xf32> to vector<256x32xf32>
    %add3A_489 = arith.addf %get3A_487, %slice3A_488 : vector<256x32xf32>
    %swap3A_490 = arith.constant 5120 : index
    %swap3A_491 = arith.constant 0 : index
    %swap3A_492 = vector.load %arg4[%swap3A_490, %swap3A_491] : memref<10240x32xf32, #tpu.memory_space<vmem>>, vector<256x32xf32>
    tpu.vector_store %arg4[%swap3A_490, %swap3A_491], %add3A_489 {strides = array<i32>} : memref<10240x32xf32, #tpu.memory_space<vmem>>, vector<256x32xf32>,
    %get3A_493 = arith.constant 5376 : index
    %get3A_494 = arith.constant 0 : index
    %get3A_495 = vector.load %arg4[%get3A_493, %get3A_494] : memref<10240x32xf32, #tpu.memory_space<vmem>>, vector<256x32xf32>
    %slice3A_496 = vector.extract_strided_slice %dot_general3A_327 {offsets = [0, 672], sizes = [256, 32], strides = [1, 1]} : vector<256x1280xf32> to vector<256x32xf32>
    %add3A_497 = arith.addf %get3A_495, %slice3A_496 : vector<256x32xf32>
    %swap3A_498 = arith.constant 5376 : index
    %swap3A_499 = arith.constant 0 : index
    %swap3A_500 = vector.load %arg4[%swap3A_498, %swap3A_499] : memref<10240x32xf32, #tpu.memory_space<vmem>>, vector<256x32xf32>
    tpu.vector_store %arg4[%swap3A_498, %swap3A_499], %add3A_497 {strides = array<i32>} : memref<10240x32xf32, #tpu.memory_space<vmem>>, vector<256x32xf32>,
    %get3A_501 = arith.constant 5632 : index
    %get3A_502 = arith.constant 0 : index
    %get3A_503 = vector.load %arg4[%get3A_501, %get3A_502] : memref<10240x32xf32, #tpu.memory_space<vmem>>, vector<256x32xf32>
    %slice3A_504 = vector.extract_strided_slice %dot_general3A_327 {offsets = [0, 704], sizes = [256, 32], strides = [1, 1]} : vector<256x1280xf32> to vector<256x32xf32>
    %add3A_505 = arith.addf %get3A_503, %slice3A_504 : vector<256x32xf32>
    %swap3A_506 = arith.constant 5632 : index
    %swap3A_507 = arith.constant 0 : index
    %swap3A_508 = vector.load %arg4[%swap3A_506, %swap3A_507] : memref<10240x32xf32, #tpu.memory_space<vmem>>, vector<256x32xf32>
    tpu.vector_store %arg4[%swap3A_506, %swap3A_507], %add3A_505 {strides = array<i32>} : memref<10240x32xf32, #tpu.memory_space<vmem>>, vector<256x32xf32>,
    %get3A_509 = arith.constant 5888 : index
    %get3A_510 = arith.constant 0 : index
    %get3A_511 = vector.load %arg4[%get3A_509, %get3A_510] : memref<10240x32xf32, #tpu.memory_space<vmem>>, vector<256x32xf32>
    %slice3A_512 = vector.extract_strided_slice %dot_general3A_327 {offsets = [0, 736], sizes = [256, 32], strides = [1, 1]} : vector<256x1280xf32> to vector<256x32xf32>
    %add3A_513 = arith.addf %get3A_511, %slice3A_512 : vector<256x32xf32>
    %swap3A_514 = arith.constant 5888 : index
    %swap3A_515 = arith.constant 0 : index
    %swap3A_516 = vector.load %arg4[%swap3A_514, %swap3A_515] : memref<10240x32xf32, #tpu.memory_space<vmem>>, vector<256x32xf32>
    tpu.vector_store %arg4[%swap3A_514, %swap3A_515], %add3A_513 {strides = array<i32>} : memref<10240x32xf32, #tpu.memory_space<vmem>>, vector<256x32xf32>,
    %get3A_517 = arith.constant 6144 : index
    %get3A_518 = arith.constant 0 : index
    %get3A_519 = vector.load %arg4[%get3A_517, %get3A_518] : memref<10240x32xf32, #tpu.memory_space<vmem>>, vector<256x32xf32>
    %slice3A_520 = vector.extract_strided_slice %dot_general3A_327 {offsets = [0, 768], sizes = [256, 32], strides = [1, 1]} : vector<256x1280xf32> to vector<256x32xf32>
    %add3A_521 = arith.addf %get3A_519, %slice3A_520 : vector<256x32xf32>
    %swap3A_522 = arith.constant 6144 : index
    %swap3A_523 = arith.constant 0 : index
    %swap3A_524 = vector.load %arg4[%swap3A_522, %swap3A_523] : memref<10240x32xf32, #tpu.memory_space<vmem>>, vector<256x32xf32>
    tpu.vector_store %arg4[%swap3A_522, %swap3A_523], %add3A_521 {strides = array<i32>} : memref<10240x32xf32, #tpu.memory_space<vmem>>, vector<256x32xf32>,
    %get3A_525 = arith.constant 6400 : index
    %get3A_526 = arith.constant 0 : index
    %get3A_527 = vector.load %arg4[%get3A_525, %get3A_526] : memref<10240x32xf32, #tpu.memory_space<vmem>>, vector<256x32xf32>
    %slice3A_528 = vector.extract_strided_slice %dot_general3A_327 {offsets = [0, 800], sizes = [256, 32], strides = [1, 1]} : vector<256x1280xf32> to vector<256x32xf32>
    %add3A_529 = arith.addf %get3A_527, %slice3A_528 : vector<256x32xf32>
    %swap3A_530 = arith.constant 6400 : index
    %swap3A_531 = arith.constant 0 : index
    %swap3A_532 = vector.load %arg4[%swap3A_530, %swap3A_531] : memref<10240x32xf32, #tpu.memory_space<vmem>>, vector<256x32xf32>
    tpu.vector_store %arg4[%swap3A_530, %swap3A_531], %add3A_529 {strides = array<i32>} : memref<10240x32xf32, #tpu.memory_space<vmem>>, vector<256x32xf32>,
    %get3A_533 = arith.constant 6656 : index
    %get3A_534 = arith.constant 0 : index
    %get3A_535 = vector.load %arg4[%get3A_533, %get3A_534] : memref<10240x32xf32, #tpu.memory_space<vmem>>, vector<256x32xf32>
    %slice3A_536 = vector.extract_strided_slice %dot_general3A_327 {offsets = [0, 832], sizes = [256, 32], strides = [1, 1]} : vector<256x1280xf32> to vector<256x32xf32>
    %add3A_537 = arith.addf %get3A_535, %slice3A_536 : vector<256x32xf32>
    %swap3A_538 = arith.constant 6656 : index
    %swap3A_539 = arith.constant 0 : index
    %swap3A_540 = vector.load %arg4[%swap3A_538, %swap3A_539] : memref<10240x32xf32, #tpu.memory_space<vmem>>, vector<256x32xf32>
    tpu.vector_store %arg4[%swap3A_538, %swap3A_539], %add3A_537 {strides = array<i32>} : memref<10240x32xf32, #tpu.memory_space<vmem>>, vector<256x32xf32>,
    %get3A_541 = arith.constant 6912 : index
    %get3A_542 = arith.constant 0 : index
    %get3A_543 = vector.load %arg4[%get3A_541, %get3A_542] : memref<10240x32xf32, #tpu.memory_space<vmem>>, vector<256x32xf32>
    %slice3A_544 = vector.extract_strided_slice %dot_general3A_327 {offsets = [0, 864], sizes = [256, 32], strides = [1, 1]} : vector<256x1280xf32> to vector<256x32xf32>
    %add3A_545 = arith.addf %get3A_543, %slice3A_544 : vector<256x32xf32>
    %swap3A_546 = arith.constant 6912 : index
    %swap3A_547 = arith.constant 0 : index
    %swap3A_548 = vector.load %arg4[%swap3A_546, %swap3A_547] : memref<10240x32xf32, #tpu.memory_space<vmem>>, vector<256x32xf32>
    tpu.vector_store %arg4[%swap3A_546, %swap3A_547], %add3A_545 {strides = array<i32>} : memref<10240x32xf32, #tpu.memory_space<vmem>>, vector<256x32xf32>,
    %get3A_549 = arith.constant 7168 : index
    %get3A_550 = arith.constant 0 : index
    %get3A_551 = vector.load %arg4[%get3A_549, %get3A_550] : memref<10240x32xf32, #tpu.memory_space<vmem>>, vector<256x32xf32>
    %slice3A_552 = vector.extract_strided_slice %dot_general3A_327 {offsets = [0, 896], sizes = [256, 32], strides = [1, 1]} : vector<256x1280xf32> to vector<256x32xf32>
    %add3A_553 = arith.addf %get3A_551, %slice3A_552 : vector<256x32xf32>
    %swap3A_554 = arith.constant 7168 : index
    %swap3A_555 = arith.constant 0 : index
    %swap3A_556 = vector.load %arg4[%swap3A_554, %swap3A_555] : memref<10240x32xf32, #tpu.memory_space<vmem>>, vector<256x32xf32>
    tpu.vector_store %arg4[%swap3A_554, %swap3A_555], %add3A_553 {strides = array<i32>} : memref<10240x32xf32, #tpu.memory_space<vmem>>, vector<256x32xf32>,
    %get3A_557 = arith.constant 7424 : index
    %get3A_558 = arith.constant 0 : index
    %get3A_559 = vector.load %arg4[%get3A_557, %get3A_558] : memref<10240x32xf32, #tpu.memory_space<vmem>>, vector<256x32xf32>
    %slice3A_560 = vector.extract_strided_slice %dot_general3A_327 {offsets = [0, 928], sizes = [256, 32], strides = [1, 1]} : vector<256x1280xf32> to vector<256x32xf32>
    %add3A_561 = arith.addf %get3A_559, %slice3A_560 : vector<256x32xf32>
    %swap3A_562 = arith.constant 7424 : index
    %swap3A_563 = arith.constant 0 : index
    %swap3A_564 = vector.load %arg4[%swap3A_562, %swap3A_563] : memref<10240x32xf32, #tpu.memory_space<vmem>>, vector<256x32xf32>
    tpu.vector_store %arg4[%swap3A_562, %swap3A_563], %add3A_561 {strides = array<i32>} : memref<10240x32xf32, #tpu.memory_space<vmem>>, vector<256x32xf32>,
    %get3A_565 = arith.constant 7680 : index
    %get3A_566 = arith.constant 0 : index
    %get3A_567 = vector.load %arg4[%get3A_565, %get3A_566] : memref<10240x32xf32, #tpu.memory_space<vmem>>, vector<256x32xf32>
    %slice3A_568 = vector.extract_strided_slice %dot_general3A_327 {offsets = [0, 960], sizes = [256, 32], strides = [1, 1]} : vector<256x1280xf32> to vector<256x32xf32>
    %add3A_569 = arith.addf %get3A_567, %slice3A_568 : vector<256x32xf32>
    %swap3A_570 = arith.constant 7680 : index
    %swap3A_571 = arith.constant 0 : index
    %swap3A_572 = vector.load %arg4[%swap3A_570, %swap3A_571] : memref<10240x32xf32, #tpu.memory_space<vmem>>, vector<256x32xf32>
    tpu.vector_store %arg4[%swap3A_570, %swap3A_571], %add3A_569 {strides = array<i32>} : memref<10240x32xf32, #tpu.memory_space<vmem>>, vector<256x32xf32>,
    %get3A_573 = arith.constant 7936 : index
    %get3A_574 = arith.constant 0 : index
    %get3A_575 = vector.load %arg4[%get3A_573, %get3A_574] : memref<10240x32xf32, #tpu.memory_space<vmem>>, vector<256x32xf32>
    %slice3A_576 = vector.extract_strided_slice %dot_general3A_327 {offsets = [0, 992], sizes = [256, 32], strides = [1, 1]} : vector<256x1280xf32> to vector<256x32xf32>
    %add3A_577 = arith.addf %get3A_575, %slice3A_576 : vector<256x32xf32>
    %swap3A_578 = arith.constant 7936 : index
    %swap3A_579 = arith.constant 0 : index
    %swap3A_580 = vector.load %arg4[%swap3A_578, %swap3A_579] : memref<10240x32xf32, #tpu.memory_space<vmem>>, vector<256x32xf32>
    tpu.vector_store %arg4[%swap3A_578, %swap3A_579], %add3A_577 {strides = array<i32>} : memref<10240x32xf32, #tpu.memory_space<vmem>>, vector<256x32xf32>,
    %get3A_581 = arith.constant 8192 : index
    %get3A_582 = arith.constant 0 : index
    %get3A_583 = vector.load %arg4[%get3A_581, %get3A_582] : memref<10240x32xf32, #tpu.memory_space<vmem>>, vector<256x32xf32>
    %slice3A_584 = vector.extract_strided_slice %dot_general3A_327 {offsets = [0, 1024], sizes = [256, 32], strides = [1, 1]} : vector<256x1280xf32> to vector<256x32xf32>
    %add3A_585 = arith.addf %get3A_583, %slice3A_584 : vector<256x32xf32>
    %swap3A_586 = arith.constant 8192 : index
    %swap3A_587 = arith.constant 0 : index
    %swap3A_588 = vector.load %arg4[%swap3A_586, %swap3A_587] : memref<10240x32xf32, #tpu.memory_space<vmem>>, vector<256x32xf32>
    tpu.vector_store %arg4[%swap3A_586, %swap3A_587], %add3A_585 {strides = array<i32>} : memref<10240x32xf32, #tpu.memory_space<vmem>>, vector<256x32xf32>,
    %get3A_589 = arith.constant 8448 : index
    %get3A_590 = arith.constant 0 : index
    %get3A_591 = vector.load %arg4[%get3A_589, %get3A_590] : memref<10240x32xf32, #tpu.memory_space<vmem>>, vector<256x32xf32>
    %slice3A_592 = vector.extract_strided_slice %dot_general3A_327 {offsets = [0, 1056], sizes = [256, 32], strides = [1, 1]} : vector<256x1280xf32> to vector<256x32xf32>
    %add3A_593 = arith.addf %get3A_591, %slice3A_592 : vector<256x32xf32>
    %swap3A_594 = arith.constant 8448 : index
    %swap3A_595 = arith.constant 0 : index
    %swap3A_596 = vector.load %arg4[%swap3A_594, %swap3A_595] : memref<10240x32xf32, #tpu.memory_space<vmem>>, vector<256x32xf32>
    tpu.vector_store %arg4[%swap3A_594, %swap3A_595], %add3A_593 {strides = array<i32>} : memref<10240x32xf32, #tpu.memory_space<vmem>>, vector<256x32xf32>,
    %get3A_597 = arith.constant 8704 : index
    %get3A_598 = arith.constant 0 : index
    %get3A_599 = vector.load %arg4[%get3A_597, %get3A_598] : memref<10240x32xf32, #tpu.memory_space<vmem>>, vector<256x32xf32>
    %slice3A_600 = vector.extract_strided_slice %dot_general3A_327 {offsets = [0, 1088], sizes = [256, 32], strides = [1, 1]} : vector<256x1280xf32> to vector<256x32xf32>
    %add3A_601 = arith.addf %get3A_599, %slice3A_600 : vector<256x32xf32>
    %swap3A_602 = arith.constant 8704 : index
    %swap3A_603 = arith.constant 0 : index
    %swap3A_604 = vector.load %arg4[%swap3A_602, %swap3A_603] : memref<10240x32xf32, #tpu.memory_space<vmem>>, vector<256x32xf32>
    tpu.vector_store %arg4[%swap3A_602, %swap3A_603], %add3A_601 {strides = array<i32>} : memref<10240x32xf32, #tpu.memory_space<vmem>>, vector<256x32xf32>,
    %get3A_605 = arith.constant 8960 : index
    %get3A_606 = arith.constant 0 : index
    %get3A_607 = vector.load %arg4[%get3A_605, %get3A_606] : memref<10240x32xf32, #tpu.memory_space<vmem>>, vector<256x32xf32>
    %slice3A_608 = vector.extract_strided_slice %dot_general3A_327 {offsets = [0, 1120], sizes = [256, 32], strides = [1, 1]} : vector<256x1280xf32> to vector<256x32xf32>
    %add3A_609 = arith.addf %get3A_607, %slice3A_608 : vector<256x32xf32>
    %swap3A_610 = arith.constant 8960 : index
    %swap3A_611 = arith.constant 0 : index
    %swap3A_612 = vector.load %arg4[%swap3A_610, %swap3A_611] : memref<10240x32xf32, #tpu.memory_space<vmem>>, vector<256x32xf32>
    tpu.vector_store %arg4[%swap3A_610, %swap3A_611], %add3A_609 {strides = array<i32>} : memref<10240x32xf32, #tpu.memory_space<vmem>>, vector<256x32xf32>,
    %get3A_613 = arith.constant 9216 : index
    %get3A_614 = arith.constant 0 : index
    %get3A_615 = vector.load %arg4[%get3A_613, %get3A_614] : memref<10240x32xf32, #tpu.memory_space<vmem>>, vector<256x32xf32>
    %slice3A_616 = vector.extract_strided_slice %dot_general3A_327 {offsets = [0, 1152], sizes = [256, 32], strides = [1, 1]} : vector<256x1280xf32> to vector<256x32xf32>
    %add3A_617 = arith.addf %get3A_615, %slice3A_616 : vector<256x32xf32>
    %swap3A_618 = arith.constant 9216 : index
    %swap3A_619 = arith.constant 0 : index
    %swap3A_620 = vector.load %arg4[%swap3A_618, %swap3A_619] : memref<10240x32xf32, #tpu.memory_space<vmem>>, vector<256x32xf32>
    tpu.vector_store %arg4[%swap3A_618, %swap3A_619], %add3A_617 {strides = array<i32>} : memref<10240x32xf32, #tpu.memory_space<vmem>>, vector<256x32xf32>,
    %get3A_621 = arith.constant 9472 : index
    %get3A_622 = arith.constant 0 : index
    %get3A_623 = vector.load %arg4[%get3A_621, %get3A_622] : memref<10240x32xf32, #tpu.memory_space<vmem>>, vector<256x32xf32>
    %slice3A_624 = vector.extract_strided_slice %dot_general3A_327 {offsets = [0, 1184], sizes = [256, 32], strides = [1, 1]} : vector<256x1280xf32> to vector<256x32xf32>
    %add3A_625 = arith.addf %get3A_623, %slice3A_624 : vector<256x32xf32>
    %swap3A_626 = arith.constant 9472 : index
    %swap3A_627 = arith.constant 0 : index
    %swap3A_628 = vector.load %arg4[%swap3A_626, %swap3A_627] : memref<10240x32xf32, #tpu.memory_space<vmem>>, vector<256x32xf32>
    tpu.vector_store %arg4[%swap3A_626, %swap3A_627], %add3A_625 {strides = array<i32>} : memref<10240x32xf32, #tpu.memory_space<vmem>>, vector<256x32xf32>,
    %get3A_629 = arith.constant 9728 : index
    %get3A_630 = arith.constant 0 : index
    %get3A_631 = vector.load %arg4[%get3A_629, %get3A_630] : memref<10240x32xf32, #tpu.memory_space<vmem>>, vector<256x32xf32>
    %slice3A_632 = vector.extract_strided_slice %dot_general3A_327 {offsets = [0, 1216], sizes = [256, 32], strides = [1, 1]} : vector<256x1280xf32> to vector<256x32xf32>
    %add3A_633 = arith.addf %get3A_631, %slice3A_632 : vector<256x32xf32>
    %swap3A_634 = arith.constant 9728 : index
    %swap3A_635 = arith.constant 0 : index
    %swap3A_636 = vector.load %arg4[%swap3A_634, %swap3A_635] : memref<10240x32xf32, #tpu.memory_space<vmem>>, vector<256x32xf32>
    tpu.vector_store %arg4[%swap3A_634, %swap3A_635], %add3A_633 {strides = array<i32>} : memref<10240x32xf32, #tpu.memory_space<vmem>>, vector<256x32xf32>,
    %get3A_637 = arith.constant 9984 : index
    %get3A_638 = arith.constant 0 : index
    %get3A_639 = vector.load %arg4[%get3A_637, %get3A_638] : memref<10240x32xf32, #tpu.memory_space<vmem>>, vector<256x32xf32>
    %slice3A_640 = vector.extract_strided_slice %dot_general3A_327 {offsets = [0, 1248], sizes = [256, 32], strides = [1, 1]} : vector<256x1280xf32> to vector<256x32xf32>
    %add3A_641 = arith.addf %get3A_639, %slice3A_640 : vector<256x32xf32>
    %swap3A_642 = arith.constant 9984 : index
    %swap3A_643 = arith.constant 0 : index
    %swap3A_644 = vector.load %arg4[%swap3A_642, %swap3A_643] : memref<10240x32xf32, #tpu.memory_space<vmem>>, vector<256x32xf32>
    tpu.vector_store %arg4[%swap3A_642, %swap3A_643], %add3A_641 {strides = array<i32>} : memref<10240x32xf32, #tpu.memory_space<vmem>>, vector<256x32xf32>,
    return
  }
  func.func @transform_0(%arg0: i32) -> (i32, i32) {
    %c0_i32 = arith.constant 0 : i32
    %c0_i32_0 = arith.constant 0 : i32
    return %arg0, %c0_i32 : i32, i32
  }
  func.func @transform_1(%arg0: i32) -> (i32, i32, i32) {
    %c0_i32 = arith.constant 0 : i32
    %c0_i32_0 = arith.constant 0 : i32
    %c0_i32_1 = arith.constant 0 : i32
    return %arg0, %c0_i32, %c0_i32_0 : i32, i32, i32
  }
  func.func @transform_2(%arg0: i32) -> (i32, i32, i32) {
    %c0_i32 = arith.constant 0 : i32
    %c0_i32_0 = arith.constant 0 : i32
    %c0_i32_1 = arith.constant 0 : i32
    return %arg0, %c0_i32, %c0_i32_0 : i32, i32, i32
  }
  func.func @transform_3(%arg0: i32) -> (i32, i32) {
    %c0_i32 = arith.constant 0 : i32
    %c0_i32_0 = arith.constant 0 : i32
    %c0_i32_1 = arith.constant 0 : i32
    return %c0_i32, %c0_i32_0 : i32, i32
  }
}

module attributes {stable_mosaic.version = 14 : i64} {
  func.func @body(%arg0: i32, %arg1: memref<1024x32xf32, #tpu.memory_space<vmem>>, %arg2: memref<1024x128xf32, #tpu.memory_space<vmem>>, %arg3: memref<128x16xf32, #tpu.memory_space<vmem>>, %arg4: memref<1x16xf32, #tpu.memory_space<vmem>>, %arg5: memref<1024x128xf32, #tpu.memory_space<vmem>>) attributes {dimension_semantics = [#tpu.dimension_semantics<arbitrary>], iteration_bounds = array<i64: 10>, scalar_prefetch = 0 : i64, scratch_operands = 0 : i64, tpu.core_type = #tpu.core_type<tc>, window_params = [{transform_indices = @transform_0, window_bounds = array<i64: 1024, 32>}, {transform_indices = @transform_1, window_bounds = array<i64: 1024, 128>}, {pipeline_mode = #tpu.pipeline_mode<synchronous>, transform_indices = @transform_2, window_bounds = array<i64: 128, 16>}, {pipeline_mode = #tpu.pipeline_mode<synchronous>, transform_indices = @transform_3, window_bounds = array<i64: 1, 16>}, {transform_indices = @transform_4, window_bounds = array<i64: 1024, 128>}]} {
    %get3A = arith.constant 0 : index
    %get3A_0 = arith.constant 0 : index
    %get3A_1 = vector.load %arg1[%get3A, %get3A_0] : memref<1024x32xf32, #tpu.memory_space<vmem>>, vector<1024x32xf32>
    %slice3A = vector.extract_strided_slice %get3A_1 {offsets = [0, 16], sizes = [1024, 1], strides = [1, 1]} : vector<1024x32xf32> to vector<1024x1xf32>
    %slice3A_2 = vector.extract_strided_slice %get3A_1 {offsets = [0, 0], sizes = [1024, 16], strides = [1, 1]} : vector<1024x32xf32> to vector<1024x16xf32>
    %max3A = arith.constant 1.000000e+00 : f32
    %max3A_3 = vector.broadcast %max3A : f32 to vector<1024x1xf32>
    %max3A_4 = arith.maximumf %slice3A, %max3A_3 : vector<1024x1xf32>
    %div3A = vector.broadcast %max3A_4 : vector<1024x1xf32> to vector<1024x16xf32>
    %div3A_5 = arith.divf %slice3A_2, %div3A : vector<1024x16xf32>
    %get3A_6 = arith.constant 0 : index
    %get3A_7 = arith.constant 0 : index
    %get3A_8 = vector.load %arg2[%get3A_6, %get3A_7] : memref<1024x128xf32, #tpu.memory_space<vmem>>, vector<1024x128xf32>
    %get3A_9 = arith.constant 0 : index
    %get3A_10 = arith.constant 0 : index
    %get3A_11 = vector.load %arg3[%get3A_9, %get3A_10] : memref<128x16xf32, #tpu.memory_space<vmem>>, vector<128x16xf32>
    %dot_general3A = arith.constant dense<0.000000e+00> : vector<1024x16xf32>
    %dot_general3A_12 = tpu.matmul %get3A_8, %get3A_11, %dot_general3A {dimension_numbers = #tpu.dot_dimension_numbers<[1], [0], [0], [1], [0, 0, 1, 1], [], []>, transpose_lhs_hint = false} : vector<1024x128xf32>, vector<128x16xf32>, vector<1024x16xf32> -> vector<1024x16xf32>
    %add3A = arith.addf %div3A_5, %dot_general3A_12 : vector<1024x16xf32>
    %get3A_13 = arith.constant 0 : index
    %get3A_14 = arith.constant 0 : index
    %get3A_15 = vector.load %arg4[%get3A_13, %get3A_14] : memref<1x16xf32, #tpu.memory_space<vmem>>, vector<1x16xf32>
    %add3A_16 = vector.broadcast %get3A_15 : vector<1x16xf32> to vector<1024x16xf32>
    %add3A_17 = arith.addf %add3A, %add3A_16 : vector<1024x16xf32>
    %max3A_18 = arith.constant 0.000000e+00 : f32
    %max3A_19 = vector.broadcast %max3A_18 : f32 to vector<1024x16xf32>
    %max3A_20 = arith.maximumf %add3A_17, %max3A_19 : vector<1024x16xf32>
    %broadcast_in_dim3A = arith.constant 0.000000e+00 : f32
    %broadcast_in_dim3A_21 = vector.broadcast %broadcast_in_dim3A : f32 to vector<1024x112xf32>
    %concatenate3A = tpu.concatenate %max3A_20, %broadcast_in_dim3A_21 in 1 : vector<1024x16xf32>, vector<1024x112xf32> -> vector<1024x128xf32>
    %swap3A = arith.constant 0 : index
    %swap3A_22 = arith.constant 0 : index
    %swap3A_23 = vector.load %arg5[%swap3A, %swap3A_22] : memref<1024x128xf32, #tpu.memory_space<vmem>>, vector<1024x128xf32>
    tpu.vector_store %arg5[%swap3A, %swap3A_22], %concatenate3A {strides = array<i32>} : memref<1024x128xf32, #tpu.memory_space<vmem>>, vector<1024x128xf32>,
    return
  }
  func.func @transform_0(%arg0: i32) -> (i32, i32) {
    %c0_i32 = arith.constant 0 : i32
    %c0_i32_0 = arith.constant 0 : i32
    return %arg0, %c0_i32 : i32, i32
  }
  func.func @transform_1(%arg0: i32) -> (i32, i32) {
    %c0_i32 = arith.constant 0 : i32
    %c0_i32_0 = arith.constant 0 : i32
    return %arg0, %c0_i32 : i32, i32
  }
  func.func @transform_2(%arg0: i32) -> (i32, i32) {
    %c0_i32 = arith.constant 0 : i32
    %c0_i32_0 = arith.constant 0 : i32
    %c0_i32_1 = arith.constant 0 : i32
    return %c0_i32, %c0_i32_0 : i32, i32
  }
  func.func @transform_3(%arg0: i32) -> (i32, i32) {
    %c0_i32 = arith.constant 0 : i32
    %c0_i32_0 = arith.constant 0 : i32
    %c0_i32_1 = arith.constant 0 : i32
    return %c0_i32, %c0_i32_0 : i32, i32
  }
  func.func @transform_4(%arg0: i32) -> (i32, i32) {
    %c0_i32 = arith.constant 0 : i32
    %c0_i32_0 = arith.constant 0 : i32
    return %arg0, %c0_i32 : i32, i32
  }
}

module attributes {stable_mosaic.version = 14 : i64} {
  func.func @body(%arg0: i32, %arg1: memref<2048x128xf32, #tpu.memory_space<vmem>>, %arg2: memref<2048x2xf32, #tpu.memory_space<vmem>>, %arg3: memref<2x256xf32, #tpu.memory_space<vmem>>, %arg4: memref<1x256xf32, #tpu.memory_space<vmem>>, %arg5: memref<16x256xf32, #tpu.memory_space<vmem>>, %arg6: memref<256x16xf32, #tpu.memory_space<vmem>>, %arg7: memref<2048x16xf32, #tpu.memory_space<vmem>>) attributes {dimension_semantics = [#tpu.dimension_semantics<arbitrary>], iteration_bounds = array<i64: 80>, scalar_prefetch = 0 : i64, scratch_operands = 0 : i64, tpu.core_type = #tpu.core_type<tc>, window_params = [{transform_indices = @transform_0, window_bounds = array<i64: 2048, 128>}, {transform_indices = @transform_1, window_bounds = array<i64: 2048, 2>}, {pipeline_mode = #tpu.pipeline_mode<synchronous>, transform_indices = @transform_2, window_bounds = array<i64: 2, 256>}, {pipeline_mode = #tpu.pipeline_mode<synchronous>, transform_indices = @transform_3, window_bounds = array<i64: 1, 256>}, {pipeline_mode = #tpu.pipeline_mode<synchronous>, transform_indices = @transform_4, window_bounds = array<i64: 16, 256>}, {pipeline_mode = #tpu.pipeline_mode<synchronous>, transform_indices = @transform_5, window_bounds = array<i64: 256, 16>}, {transform_indices = @transform_6, window_bounds = array<i64: 2048, 16>}]} {
    %get3A = arith.constant 0 : index
    %get3A_0 = arith.constant 0 : index
    %get3A_1 = vector.load %arg2[%get3A, %get3A_0] : memref<2048x2xf32, #tpu.memory_space<vmem>>, vector<2048x2xf32>
    %get3A_2 = arith.constant 0 : index
    %get3A_3 = arith.constant 0 : index
    %get3A_4 = vector.load %arg3[%get3A_2, %get3A_3] : memref<2x256xf32, #tpu.memory_space<vmem>>, vector<2x256xf32>
    %dot_general3A = arith.constant dense<0.000000e+00> : vector<2048x256xf32>
    %dot_general3A_5 = tpu.matmul %get3A_1, %get3A_4, %dot_general3A {dimension_numbers = #tpu.dot_dimension_numbers<[1], [0], [0], [1], [0, 0, 1, 1], [], []>, transpose_lhs_hint = false} : vector<2048x2xf32>, vector<2x256xf32>, vector<2048x256xf32> -> vector<2048x256xf32>
    %get3A_6 = arith.constant 0 : index
    %get3A_7 = arith.constant 0 : index
    %get3A_8 = vector.load %arg4[%get3A_6, %get3A_7] : memref<1x256xf32, #tpu.memory_space<vmem>>, vector<1x256xf32>
    %add3A = vector.broadcast %get3A_8 : vector<1x256xf32> to vector<2048x256xf32>
    %add3A_9 = arith.addf %dot_general3A_5, %add3A : vector<2048x256xf32>
    %max3A = arith.constant 0.000000e+00 : f32
    %max3A_10 = vector.broadcast %max3A : f32 to vector<2048x256xf32>
    %max3A_11 = arith.maximumf %add3A_9, %max3A_10 : vector<2048x256xf32>
    %get3A_12 = arith.constant 0 : index
    %get3A_13 = arith.constant 0 : index
    %get3A_14 = vector.load %arg1[%get3A_12, %get3A_13] : memref<2048x128xf32, #tpu.memory_space<vmem>>, vector<2048x16xf32>
    %get3A_15 = arith.constant 0 : index
    %get3A_16 = arith.constant 0 : index
    %get3A_17 = vector.load %arg5[%get3A_15, %get3A_16] : memref<16x256xf32, #tpu.memory_space<vmem>>, vector<16x256xf32>
    %dot_general3A_18 = arith.constant dense<0.000000e+00> : vector<2048x256xf32>
    %dot_general3A_19 = tpu.matmul %get3A_14, %get3A_17, %dot_general3A_18 {dimension_numbers = #tpu.dot_dimension_numbers<[1], [0], [0], [1], [0, 0, 1, 1], [], []>, transpose_lhs_hint = false} : vector<2048x16xf32>, vector<16x256xf32>, vector<2048x256xf32> -> vector<2048x256xf32>
    %mul3A = arith.mulf %max3A_11, %dot_general3A_19 : vector<2048x256xf32>
    %get3A_20 = arith.constant 0 : index
    %get3A_21 = arith.constant 0 : index
    %get3A_22 = vector.load %arg6[%get3A_20, %get3A_21] : memref<256x16xf32, #tpu.memory_space<vmem>>, vector<256x16xf32>
    %dot_general3A_23 = arith.constant dense<0.000000e+00> : vector<2048x16xf32>
    %dot_general3A_24 = tpu.matmul %mul3A, %get3A_22, %dot_general3A_23 {dimension_numbers = #tpu.dot_dimension_numbers<[1], [0], [0], [1], [0, 0, 1, 1], [], []>, transpose_lhs_hint = false} : vector<2048x256xf32>, vector<256x16xf32>, vector<2048x16xf32> -> vector<2048x16xf32>
    %swap3A = arith.constant 0 : index
    %swap3A_25 = arith.constant 0 : index
    %swap3A_26 = vector.load %arg7[%swap3A, %swap3A_25] : memref<2048x16xf32, #tpu.memory_space<vmem>>, vector<2048x16xf32>
    tpu.vector_store %arg7[%swap3A, %swap3A_25], %dot_general3A_24 {strides = array<i32>} : memref<2048x16xf32, #tpu.memory_space<vmem>>, vector<2048x16xf32>,
    return
  }
  func.func @transform_0(%arg0: i32) -> (i32, i32) {
    %c0_i32 = arith.constant 0 : i32
    %c0_i32_0 = arith.constant 0 : i32
    return %arg0, %c0_i32 : i32, i32
  }
  func.func @transform_1(%arg0: i32) -> (i32, i32) {
    %c0_i32 = arith.constant 0 : i32
    %c0_i32_0 = arith.constant 0 : i32
    return %arg0, %c0_i32 : i32, i32
  }
  func.func @transform_2(%arg0: i32) -> (i32, i32) {
    %c0_i32 = arith.constant 0 : i32
    %c0_i32_0 = arith.constant 0 : i32
    %c0_i32_1 = arith.constant 0 : i32
    return %c0_i32, %c0_i32_0 : i32, i32
  }
  func.func @transform_3(%arg0: i32) -> (i32, i32) {
    %c0_i32 = arith.constant 0 : i32
    %c0_i32_0 = arith.constant 0 : i32
    %c0_i32_1 = arith.constant 0 : i32
    return %c0_i32, %c0_i32_0 : i32, i32
  }
  func.func @transform_4(%arg0: i32) -> (i32, i32) {
    %c0_i32 = arith.constant 0 : i32
    %c0_i32_0 = arith.constant 0 : i32
    %c0_i32_1 = arith.constant 0 : i32
    return %c0_i32, %c0_i32_0 : i32, i32
  }
  func.func @transform_5(%arg0: i32) -> (i32, i32) {
    %c0_i32 = arith.constant 0 : i32
    %c0_i32_0 = arith.constant 0 : i32
    %c0_i32_1 = arith.constant 0 : i32
    return %c0_i32, %c0_i32_0 : i32, i32
  }
  func.func @transform_6(%arg0: i32) -> (i32, i32) {
    %c0_i32 = arith.constant 0 : i32
    %c0_i32_0 = arith.constant 0 : i32
    return %arg0, %c0_i32 : i32, i32
  }
}

module attributes {stable_mosaic.version = 14 : i64} {
  func.func @body(%arg0: i32, %arg1: memref<1024x32xf32, #tpu.memory_space<vmem>>, %arg2: memref<1024x128xf32, #tpu.memory_space<vmem>>, %arg3: memref<16x16xf32, #tpu.memory_space<vmem>>, %arg4: memref<1x16xf32, #tpu.memory_space<vmem>>, %arg5: memref<1024x128xf32, #tpu.memory_space<vmem>>) attributes {dimension_semantics = [#tpu.dimension_semantics<arbitrary>], iteration_bounds = array<i64: 10>, scalar_prefetch = 0 : i64, scratch_operands = 0 : i64, tpu.core_type = #tpu.core_type<tc>, window_params = [{transform_indices = @transform_0, window_bounds = array<i64: 1024, 32>}, {transform_indices = @transform_1, window_bounds = array<i64: 1024, 128>}, {pipeline_mode = #tpu.pipeline_mode<synchronous>, transform_indices = @transform_2, window_bounds = array<i64: 16, 16>}, {pipeline_mode = #tpu.pipeline_mode<synchronous>, transform_indices = @transform_3, window_bounds = array<i64: 1, 16>}, {transform_indices = @transform_4, window_bounds = array<i64: 1024, 128>}]} {
    %get3A = arith.constant 0 : index
    %get3A_0 = arith.constant 0 : index
    %get3A_1 = vector.load %arg1[%get3A, %get3A_0] : memref<1024x32xf32, #tpu.memory_space<vmem>>, vector<1024x32xf32>
    %slice3A = vector.extract_strided_slice %get3A_1 {offsets = [0, 16], sizes = [1024, 1], strides = [1, 1]} : vector<1024x32xf32> to vector<1024x1xf32>
    %slice3A_2 = vector.extract_strided_slice %get3A_1 {offsets = [0, 0], sizes = [1024, 16], strides = [1, 1]} : vector<1024x32xf32> to vector<1024x16xf32>
    %max3A = arith.constant 1.000000e+00 : f32
    %max3A_3 = vector.broadcast %max3A : f32 to vector<1024x1xf32>
    %max3A_4 = arith.maximumf %slice3A, %max3A_3 : vector<1024x1xf32>
    %div3A = vector.broadcast %max3A_4 : vector<1024x1xf32> to vector<1024x16xf32>
    %div3A_5 = arith.divf %slice3A_2, %div3A : vector<1024x16xf32>
    %get3A_6 = arith.constant 0 : index
    %get3A_7 = arith.constant 0 : index
    %get3A_8 = vector.load %arg2[%get3A_6, %get3A_7] : memref<1024x128xf32, #tpu.memory_space<vmem>>, vector<1024x16xf32>
    %get3A_9 = arith.constant 0 : index
    %get3A_10 = arith.constant 0 : index
    %get3A_11 = vector.load %arg3[%get3A_9, %get3A_10] : memref<16x16xf32, #tpu.memory_space<vmem>>, vector<16x16xf32>
    %dot_general3A = arith.constant dense<0.000000e+00> : vector<1024x16xf32>
    %dot_general3A_12 = tpu.matmul %get3A_8, %get3A_11, %dot_general3A {dimension_numbers = #tpu.dot_dimension_numbers<[1], [0], [0], [1], [0, 0, 1, 1], [], []>, transpose_lhs_hint = false} : vector<1024x16xf32>, vector<16x16xf32>, vector<1024x16xf32> -> vector<1024x16xf32>
    %add3A = arith.addf %div3A_5, %dot_general3A_12 : vector<1024x16xf32>
    %get3A_13 = arith.constant 0 : index
    %get3A_14 = arith.constant 0 : index
    %get3A_15 = vector.load %arg4[%get3A_13, %get3A_14] : memref<1x16xf32, #tpu.memory_space<vmem>>, vector<1x16xf32>
    %add3A_16 = vector.broadcast %get3A_15 : vector<1x16xf32> to vector<1024x16xf32>
    %add3A_17 = arith.addf %add3A, %add3A_16 : vector<1024x16xf32>
    %max3A_18 = arith.constant 0.000000e+00 : f32
    %max3A_19 = vector.broadcast %max3A_18 : f32 to vector<1024x16xf32>
    %max3A_20 = arith.maximumf %add3A_17, %max3A_19 : vector<1024x16xf32>
    %broadcast_in_dim3A = arith.constant 0.000000e+00 : f32
    %broadcast_in_dim3A_21 = vector.broadcast %broadcast_in_dim3A : f32 to vector<1024x112xf32>
    %concatenate3A = tpu.concatenate %max3A_20, %broadcast_in_dim3A_21 in 1 : vector<1024x16xf32>, vector<1024x112xf32> -> vector<1024x128xf32>
    %swap3A = arith.constant 0 : index
    %swap3A_22 = arith.constant 0 : index
    %swap3A_23 = vector.load %arg5[%swap3A, %swap3A_22] : memref<1024x128xf32, #tpu.memory_space<vmem>>, vector<1024x128xf32>
    tpu.vector_store %arg5[%swap3A, %swap3A_22], %concatenate3A {strides = array<i32>} : memref<1024x128xf32, #tpu.memory_space<vmem>>, vector<1024x128xf32>,
    return
  }
  func.func @transform_0(%arg0: i32) -> (i32, i32) {
    %c0_i32 = arith.constant 0 : i32
    %c0_i32_0 = arith.constant 0 : i32
    return %arg0, %c0_i32 : i32, i32
  }
  func.func @transform_1(%arg0: i32) -> (i32, i32) {
    %c0_i32 = arith.constant 0 : i32
    %c0_i32_0 = arith.constant 0 : i32
    return %arg0, %c0_i32 : i32, i32
  }
  func.func @transform_2(%arg0: i32) -> (i32, i32) {
    %c0_i32 = arith.constant 0 : i32
    %c0_i32_0 = arith.constant 0 : i32
    %c0_i32_1 = arith.constant 0 : i32
    return %c0_i32, %c0_i32_0 : i32, i32
  }
  func.func @transform_3(%arg0: i32) -> (i32, i32) {
    %c0_i32 = arith.constant 0 : i32
    %c0_i32_0 = arith.constant 0 : i32
    %c0_i32_1 = arith.constant 0 : i32
    return %c0_i32, %c0_i32_0 : i32, i32
  }
  func.func @transform_4(%arg0: i32) -> (i32, i32) {
    %c0_i32 = arith.constant 0 : i32
    %c0_i32_0 = arith.constant 0 : i32
    return %arg0, %c0_i32 : i32, i32
  }
}

module attributes {stable_mosaic.version = 14 : i64} {
  func.func @body(%arg0: i32, %arg1: memref<2048x128xf32, #tpu.memory_space<vmem>>, %arg2: memref<2048x2xf32, #tpu.memory_space<vmem>>, %arg3: memref<2x32xf32, #tpu.memory_space<vmem>>, %arg4: memref<1x32xf32, #tpu.memory_space<vmem>>, %arg5: memref<16x32xf32, #tpu.memory_space<vmem>>, %arg6: memref<32x16xf32, #tpu.memory_space<vmem>>, %arg7: memref<2048x16xf32, #tpu.memory_space<vmem>>) attributes {dimension_semantics = [#tpu.dimension_semantics<arbitrary>], iteration_bounds = array<i64: 80>, scalar_prefetch = 0 : i64, scratch_operands = 0 : i64, tpu.core_type = #tpu.core_type<tc>, window_params = [{transform_indices = @transform_0, window_bounds = array<i64: 2048, 128>}, {transform_indices = @transform_1, window_bounds = array<i64: 2048, 2>}, {pipeline_mode = #tpu.pipeline_mode<synchronous>, transform_indices = @transform_2, window_bounds = array<i64: 2, 32>}, {pipeline_mode = #tpu.pipeline_mode<synchronous>, transform_indices = @transform_3, window_bounds = array<i64: 1, 32>}, {pipeline_mode = #tpu.pipeline_mode<synchronous>, transform_indices = @transform_4, window_bounds = array<i64: 16, 32>}, {pipeline_mode = #tpu.pipeline_mode<synchronous>, transform_indices = @transform_5, window_bounds = array<i64: 32, 16>}, {transform_indices = @transform_6, window_bounds = array<i64: 2048, 16>}]} {
    %get3A = arith.constant 0 : index
    %get3A_0 = arith.constant 0 : index
    %get3A_1 = vector.load %arg2[%get3A, %get3A_0] : memref<2048x2xf32, #tpu.memory_space<vmem>>, vector<2048x2xf32>
    %get3A_2 = arith.constant 0 : index
    %get3A_3 = arith.constant 0 : index
    %get3A_4 = vector.load %arg3[%get3A_2, %get3A_3] : memref<2x32xf32, #tpu.memory_space<vmem>>, vector<2x32xf32>
    %dot_general3A = arith.constant dense<0.000000e+00> : vector<2048x32xf32>
    %dot_general3A_5 = tpu.matmul %get3A_1, %get3A_4, %dot_general3A {dimension_numbers = #tpu.dot_dimension_numbers<[1], [0], [0], [1], [0, 0, 1, 1], [], []>, transpose_lhs_hint = false} : vector<2048x2xf32>, vector<2x32xf32>, vector<2048x32xf32> -> vector<2048x32xf32>
    %get3A_6 = arith.constant 0 : index
    %get3A_7 = arith.constant 0 : index
    %get3A_8 = vector.load %arg4[%get3A_6, %get3A_7] : memref<1x32xf32, #tpu.memory_space<vmem>>, vector<1x32xf32>
    %add3A = vector.broadcast %get3A_8 : vector<1x32xf32> to vector<2048x32xf32>
    %add3A_9 = arith.addf %dot_general3A_5, %add3A : vector<2048x32xf32>
    %max3A = arith.constant 0.000000e+00 : f32
    %max3A_10 = vector.broadcast %max3A : f32 to vector<2048x32xf32>
    %max3A_11 = arith.maximumf %add3A_9, %max3A_10 : vector<2048x32xf32>
    %get3A_12 = arith.constant 0 : index
    %get3A_13 = arith.constant 0 : index
    %get3A_14 = vector.load %arg1[%get3A_12, %get3A_13] : memref<2048x128xf32, #tpu.memory_space<vmem>>, vector<2048x16xf32>
    %get3A_15 = arith.constant 0 : index
    %get3A_16 = arith.constant 0 : index
    %get3A_17 = vector.load %arg5[%get3A_15, %get3A_16] : memref<16x32xf32, #tpu.memory_space<vmem>>, vector<16x32xf32>
    %dot_general3A_18 = arith.constant dense<0.000000e+00> : vector<2048x32xf32>
    %dot_general3A_19 = tpu.matmul %get3A_14, %get3A_17, %dot_general3A_18 {dimension_numbers = #tpu.dot_dimension_numbers<[1], [0], [0], [1], [0, 0, 1, 1], [], []>, transpose_lhs_hint = false} : vector<2048x16xf32>, vector<16x32xf32>, vector<2048x32xf32> -> vector<2048x32xf32>
    %mul3A = arith.mulf %max3A_11, %dot_general3A_19 : vector<2048x32xf32>
    %get3A_20 = arith.constant 0 : index
    %get3A_21 = arith.constant 0 : index
    %get3A_22 = vector.load %arg6[%get3A_20, %get3A_21] : memref<32x16xf32, #tpu.memory_space<vmem>>, vector<32x16xf32>
    %dot_general3A_23 = arith.constant dense<0.000000e+00> : vector<2048x16xf32>
    %dot_general3A_24 = tpu.matmul %mul3A, %get3A_22, %dot_general3A_23 {dimension_numbers = #tpu.dot_dimension_numbers<[1], [0], [0], [1], [0, 0, 1, 1], [], []>, transpose_lhs_hint = false} : vector<2048x32xf32>, vector<32x16xf32>, vector<2048x16xf32> -> vector<2048x16xf32>
    %swap3A = arith.constant 0 : index
    %swap3A_25 = arith.constant 0 : index
    %swap3A_26 = vector.load %arg7[%swap3A, %swap3A_25] : memref<2048x16xf32, #tpu.memory_space<vmem>>, vector<2048x16xf32>
    tpu.vector_store %arg7[%swap3A, %swap3A_25], %dot_general3A_24 {strides = array<i32>} : memref<2048x16xf32, #tpu.memory_space<vmem>>, vector<2048x16xf32>,
    return
  }
  func.func @transform_0(%arg0: i32) -> (i32, i32) {
    %c0_i32 = arith.constant 0 : i32
    %c0_i32_0 = arith.constant 0 : i32
    return %arg0, %c0_i32 : i32, i32
  }
  func.func @transform_1(%arg0: i32) -> (i32, i32) {
    %c0_i32 = arith.constant 0 : i32
    %c0_i32_0 = arith.constant 0 : i32
    return %arg0, %c0_i32 : i32, i32
  }
  func.func @transform_2(%arg0: i32) -> (i32, i32) {
    %c0_i32 = arith.constant 0 : i32
    %c0_i32_0 = arith.constant 0 : i32
    %c0_i32_1 = arith.constant 0 : i32
    return %c0_i32, %c0_i32_0 : i32, i32
  }
  func.func @transform_3(%arg0: i32) -> (i32, i32) {
    %c0_i32 = arith.constant 0 : i32
    %c0_i32_0 = arith.constant 0 : i32
    %c0_i32_1 = arith.constant 0 : i32
    return %c0_i32, %c0_i32_0 : i32, i32
  }
  func.func @transform_4(%arg0: i32) -> (i32, i32) {
    %c0_i32 = arith.constant 0 : i32
    %c0_i32_0 = arith.constant 0 : i32
    %c0_i32_1 = arith.constant 0 : i32
    return %c0_i32, %c0_i32_0 : i32, i32
  }
  func.func @transform_5(%arg0: i32) -> (i32, i32) {
    %c0_i32 = arith.constant 0 : i32
    %c0_i32_0 = arith.constant 0 : i32
    %c0_i32_1 = arith.constant 0 : i32
    return %c0_i32, %c0_i32_0 : i32, i32
  }
  func.func @transform_6(%arg0: i32) -> (i32, i32) {
    %c0_i32 = arith.constant 0 : i32
    %c0_i32_0 = arith.constant 0 : i32
    return %arg0, %c0_i32 : i32, i32
  }
}

module attributes {stable_mosaic.version = 14 : i64} {
  func.func @body(%arg0: i32, %arg1: memref<1024x32xf32, #tpu.memory_space<vmem>>, %arg2: memref<1024x128xf32, #tpu.memory_space<vmem>>, %arg3: memref<16x2xf32, #tpu.memory_space<vmem>>, %arg4: memref<1x2xf32, #tpu.memory_space<vmem>>, %arg5: memref<1024x2xf32, #tpu.memory_space<vmem>>) attributes {dimension_semantics = [#tpu.dimension_semantics<arbitrary>], iteration_bounds = array<i64: 10>, scalar_prefetch = 0 : i64, scratch_operands = 0 : i64, tpu.core_type = #tpu.core_type<tc>, window_params = [{transform_indices = @transform_0, window_bounds = array<i64: 1024, 32>}, {transform_indices = @transform_1, window_bounds = array<i64: 1024, 128>}, {pipeline_mode = #tpu.pipeline_mode<synchronous>, transform_indices = @transform_2, window_bounds = array<i64: 16, 2>}, {pipeline_mode = #tpu.pipeline_mode<synchronous>, transform_indices = @transform_3, window_bounds = array<i64: 1, 2>}, {transform_indices = @transform_4, window_bounds = array<i64: 1024, 2>}]} {
    %get3A = arith.constant 0 : index
    %get3A_0 = arith.constant 0 : index
    %get3A_1 = vector.load %arg1[%get3A, %get3A_0] : memref<1024x32xf32, #tpu.memory_space<vmem>>, vector<1024x32xf32>
    %slice3A = vector.extract_strided_slice %get3A_1 {offsets = [0, 16], sizes = [1024, 1], strides = [1, 1]} : vector<1024x32xf32> to vector<1024x1xf32>
    %slice3A_2 = vector.extract_strided_slice %get3A_1 {offsets = [0, 0], sizes = [1024, 2], strides = [1, 1]} : vector<1024x32xf32> to vector<1024x2xf32>
    %max3A = arith.constant 1.000000e+00 : f32
    %max3A_3 = vector.broadcast %max3A : f32 to vector<1024x1xf32>
    %max3A_4 = arith.maximumf %slice3A, %max3A_3 : vector<1024x1xf32>
    %div3A = vector.broadcast %max3A_4 : vector<1024x1xf32> to vector<1024x2xf32>
    %div3A_5 = arith.divf %slice3A_2, %div3A : vector<1024x2xf32>
    %get3A_6 = arith.constant 0 : index
    %get3A_7 = arith.constant 0 : index
    %get3A_8 = vector.load %arg2[%get3A_6, %get3A_7] : memref<1024x128xf32, #tpu.memory_space<vmem>>, vector<1024x16xf32>
    %get3A_9 = arith.constant 0 : index
    %get3A_10 = arith.constant 0 : index
    %get3A_11 = vector.load %arg3[%get3A_9, %get3A_10] : memref<16x2xf32, #tpu.memory_space<vmem>>, vector<16x2xf32>
    %dot_general3A = arith.constant dense<0.000000e+00> : vector<1024x2xf32>
    %dot_general3A_12 = tpu.matmul %get3A_8, %get3A_11, %dot_general3A {dimension_numbers = #tpu.dot_dimension_numbers<[1], [0], [0], [1], [0, 0, 1, 1], [], []>, transpose_lhs_hint = false} : vector<1024x16xf32>, vector<16x2xf32>, vector<1024x2xf32> -> vector<1024x2xf32>
    %add3A = arith.addf %div3A_5, %dot_general3A_12 : vector<1024x2xf32>
    %get3A_13 = arith.constant 0 : index
    %get3A_14 = arith.constant 0 : index
    %get3A_15 = vector.load %arg4[%get3A_13, %get3A_14] : memref<1x2xf32, #tpu.memory_space<vmem>>, vector<1x2xf32>
    %add3A_16 = vector.broadcast %get3A_15 : vector<1x2xf32> to vector<1024x2xf32>
    %add3A_17 = arith.addf %add3A, %add3A_16 : vector<1024x2xf32>
    %swap3A = arith.constant 0 : index
    %swap3A_18 = arith.constant 0 : index
    %swap3A_19 = vector.load %arg5[%swap3A, %swap3A_18] : memref<1024x2xf32, #tpu.memory_space<vmem>>, vector<1024x2xf32>
    tpu.vector_store %arg5[%swap3A, %swap3A_18], %add3A_17 {strides = array<i32>} : memref<1024x2xf32, #tpu.memory_space<vmem>>, vector<1024x2xf32>,
    return
  }
  func.func @transform_0(%arg0: i32) -> (i32, i32) {
    %c0_i32 = arith.constant 0 : i32
    %c0_i32_0 = arith.constant 0 : i32
    return %arg0, %c0_i32 : i32, i32
  }
  func.func @transform_1(%arg0: i32) -> (i32, i32) {
    %c0_i32 = arith.constant 0 : i32
    %c0_i32_0 = arith.constant 0 : i32
    return %arg0, %c0_i32 : i32, i32
  }
  func.func @transform_2(%arg0: i32) -> (i32, i32) {
    %c0_i32 = arith.constant 0 : i32
    %c0_i32_0 = arith.constant 0 : i32
    %c0_i32_1 = arith.constant 0 : i32
    return %c0_i32, %c0_i32_0 : i32, i32
  }
  func.func @transform_3(%arg0: i32) -> (i32, i32) {
    %c0_i32 = arith.constant 0 : i32
    %c0_i32_0 = arith.constant 0 : i32
    %c0_i32_1 = arith.constant 0 : i32
    return %c0_i32, %c0_i32_0 : i32, i32
  }
  func.func @transform_4(%arg0: i32) -> (i32, i32) {
    %c0_i32 = arith.constant 0 : i32
    %c0_i32_0 = arith.constant 0 : i32
    return %arg0, %c0_i32 : i32, i32
  }
}

</mosaic_0001>

<sc_bundles>
// kernel: kernel.14.cloned.1.call-start
scs
__scs_entry_jumppad:
0x0: {  	(pc) =	sbr.rel $0x88, $3  }
0x1: {  	(tag) =	ssettag $0x0;
	lr =	simm.s32 $0x1  }
0x2: {  	[smem:$0x3F92] =	sst lr;
	_ =	strace $0xD0000000  }
0x3: {  	_ = 	snop  }
0x4: {  	_ = 	snop  }
0x5: {  	_ = 	snop  }
0x6: {  	_ = 	snop  }
0x7: {  	_ = 	snop  }
__scs_overlays_trampoline_lowered:
0x8: {  	[smem:$0x3FA1] =	sst s0  }
0x9: {  	[smem:$0x3FA2] =	sst s1  }
0xa: {  	[smem:$0x3FA3] =	sst s2  }
0xb: {  	[smem:$0x3FA4] =	sst s3  }
0xc: {  	[smem:$0x3FA5] =	sst s4  }
0xd: {  	[smem:$0x3FA6] =	sst s5  }
0xe: {  	[smem:$0x3FA7] =	sst s6  }
0xf: {  	[smem:$0x3FA8] =	sst s7  }
0x10: {  	[smem:$0x3FA9] =	sst s8  }
0x11: {  	[smem:$0x3FAA] =	sst s9;
	s0 =	simm.s32 @!p0 $0x0  }
0x12: {  	s1 =	sld [smem:$0x3F90];
	s0 =	simm.s32 @p0 $0x1  }
0x13: {  	[smem:$0x3FAB] =	sst s0;
	s0 =	simm.s32 @!p1 $0x0  }
0x14: {  	s2 =	sld [smem:$0x3F8F];
	s0 =	simm.s32 @p1 $0x1  }
0x15: {  	[smem:$0x3FAC] =	sst s0;
	s0 =	simm.s32 @!p2 $0x0  }
0x16: {  	s3 =	sld [smem:$0x3FDB];
	s0 =	simm.s32 @p2 $0x1  }
0x17: {  	s4 =	simm.s32 $0x1BF5;
	[smem:$0x3FAE] =	sst s0  }
0x18: {  	s0 =	sld [smem:$0x3F91];
	_ =	swait.ge [sflag:s4], $0x0  }
0x19: {  	s7 =	sld [smem:$0x3F92]  }
0x1a: {  	s8 =	sadd.s32 $0xFFFFE003, lr  }
0x1b: {  	s9 =	sadd.s32 $0xFFFFFEF7, lr;
	s5 =	simm.s32 $0xFFFFFFFF;
	p2 =	slt.u32 s8, $0xFFFFF086  }
0x1c: {  	p1 =	slt.u32 s9, $0xF7A;
	s5 =	simm.s32 @!p2 $0x0  }
0x1d: {  	s5 =	simm.s32 @p1 $0x1;
	p0 =	seq.s32 s7, s2  }
0x1e: {  	s7 =	smul.u32 @!p0 $0xF7A, s2;
	p2 =	seq.s32 @!p0 s5, $0x0  }
0x1f: {  	s9 =	smul.u32 $0xF7A, s1;
	s8 =	simm.s32 @!p0 $0x1BF5;
	p2 =	por !p2, p0  }
0x20: {  	[sflag:s8] =	ssyncset.s32 @!p0 $0xFFFFF086;
	s6 =	sadd.s32 @!p0 s3, s7;
	s7 =	simm.s32 @!p0 $0x108  }
0x21: {  	s3 =	sadd.s32 s3, s9;
	s6 =	sadd.s32 @!p0 $0x88, s6;
	s7 =	simm.s32 @p2 $0x1082  }
0x22: {  	[simem:s7], [sflag:s8] =	dma.local @!p0 [hbm:s6], $0xF7A  }
0x23: {  	s9 =	sor.u32 $0xD0000000, s2;
	s6 =	simm.s32 $0x108;
	_ =	swait.ge @!p0 [sflag:s8], $0x0  }
0x24: {  	s3 =	sadd.s32 $0x88, s3;
	s6 =	simm.s32 @!p1 $0x1082;
	[sflag:s4] =	ssyncset.s32 $0xFFFFF086  }
0x25: {  	[simem:s6], [sflag:s4] =	dma.local [hbm:s3], $0xF7A  }
0x26: {  	[smem:$0x3F92] =	sst s1;
	(tag) =	ssettag s2;
	_ =	strace s9  }
0x27: {  	s1 =	sld [smem:$0x3FA2]  }
0x28: {  	s2 =	sld [smem:$0x3FA3]  }
0x29: {  	s4 =	sld [smem:$0x3FA5]  }
0x2a: {  	p0 =	seq.s32 s5, $0x0;
	s5 =	sld [smem:$0x3FA6]  }
0x2b: {  	s6 =	sld [smem:$0x3FA7]  }
0x2c: {  	s7 =	sld [smem:$0x3FA8]  }
0x2d: {  	s3 =	simm.s32 $0x108;
	s8 =	sld [smem:$0x3FA9]  }
0x2e: {  	s3 =	simm.s32 @!p0 $0x1082;
	s9 =	sld [smem:$0x3FAA]  }
0x2f: {  	lr =	sadd.s32 s0, s3;
	s0 =	sld [smem:$0x3FA1]  }
0x30: {  	s3 =	sld [smem:$0x3FA4]  }
0x31: {  	[smem:$0x3FAD] =	sst s10  }
0x32: {  	s10 =	sld [smem:$0x3FAB];
	_ =	sdelay $0x3  }
0x33: {  	p0 =	seq.s32 s10, $0x1;
	s10 =	sld [smem:$0x3FAD];
	_ =	sdelay $0x3  }
0x34: {  	[smem:$0x3FAD] =	sst s10  }
0x35: {  	s10 =	sld [smem:$0x3FAC];
	_ =	sdelay $0x3  }
0x36: {  	p1 =	seq.s32 s10, $0x1;
	s10 =	sld [smem:$0x3FAD];
	_ =	sdelay $0x3  }
0x37: {  	[smem:$0x3FAD] =	sst s10  }
0x38: {  	s10 =	sld [smem:$0x3FAE]  }
0x39: {  	_ = 	snop;
	(pc) =	sbr.ind lr, $3  }
0x3a: {  	_ = 	snop  }
0x3b: {  	_ = 	snop  }
0x3c: {  	p2 =	seq.s32 s10, $0x1;
	s10 =	sld [smem:$0x3FAD]  }
0x3d: {  	_ =	shalt  }
0x3e: {  	_ =	shalt  }
0x3f: {  	_ =	shalt  }
0x40: {  	_ =	shalt  }
0x41: {  	_ =	shalt  }
0x42: {  	_ =	shalt  }
0x43: {  	_ =	shalt  }
0x44: {  	_ =	shalt  }
0x45: {  	_ =	shalt  }
0x46: {  	_ =	shalt  }
0x47: {  	_ =	shalt  }
0x48: {  	_ =	shalt  }
0x49: {  	_ =	shalt  }
0x4a: {  	_ =	shalt  }
0x4b: {  	_ =	shalt  }
0x4c: {  	_ =	shalt  }
0x4d: {  	_ =	shalt  }
0x4e: {  	_ =	shalt  }
0x4f: {  	_ =	shalt  }
0x50: {  	_ =	shalt  }
0x51: {  	_ =	shalt  }
0x52: {  	_ =	shalt  }
0x53: {  	_ =	shalt  }
0x54: {  	_ =	shalt  }
0x55: {  	_ =	shalt  }
0x56: {  	_ =	shalt  }
0x57: {  	_ =	shalt  }
0x58: {  	_ =	shalt  }
0x59: {  	_ =	shalt  }
0x5a: {  	_ =	shalt  }
0x5b: {  	_ =	shalt  }
0x5c: {  	_ =	shalt  }
0x5d: {  	_ =	shalt  }
0x5e: {  	_ =	shalt  }
0x5f: {  	_ =	shalt  }
0x60: {  	_ =	shalt  }
0x61: {  	_ =	shalt  }
0x62: {  	_ =	shalt  }
0x63: {  	_ =	shalt  }
0x64: {  	_ =	shalt  }
0x65: {  	_ =	shalt  }
0x66: {  	_ =	shalt  }
0x67: {  	_ =	shalt  }
0x68: {  	_ =	shalt  }
0x69: {  	_ =	shalt  }
0x6a: {  	_ =	shalt  }
0x6b: {  	_ =	shalt  }
0x6c: {  	_ =	shalt  }
0x6d: {  	_ =	shalt  }
0x6e: {  	_ =	shalt  }
0x6f: {  	_ =	shalt  }
0x70: {  	_ =	shalt  }
0x71: {  	_ =	shalt  }
0x72: {  	_ =	shalt  }
0x73: {  	_ =	shalt  }
0x74: {  	_ =	shalt  }
0x75: {  	_ =	shalt  }
0x76: {  	_ =	shalt  }
0x77: {  	_ =	shalt  }
0x78: {  	_ =	shalt  }
0x79: {  	_ =	shalt  }
0x7a: {  	_ =	shalt  }
0x7b: {  	_ =	shalt  }
0x7c: {  	_ =	shalt  }
0x7d: {  	_ =	shalt  }
0x7e: {  	_ =	shalt  }
0x7f: {  	_ =	shalt  }
0x80: {  	_ =	shalt  }
0x81: {  	_ =	shalt  }
0x82: {  	_ =	shalt  }
0x83: {  	_ =	shalt  }
0x84: {  	_ =	shalt  }
0x85: {  	_ =	shalt  }
0x86: {  	_ =	shalt  }
0x87: {  	_ =	shalt  }
.Lfunc_end0:
.L_simem_size_0:
called_computation_lowered:
.L_overlay_start_0:
0x88: {  	s2 =	sld [smem:$0x3FD9]  }
0x89: {  	s3 =	sld [smem:$0x3FFE];
	_ =	sdelay $0x1  }
0x8a: {  	s1 =	srdreg.scid  }
0x8b: {  	s0 =	sand.u32 $0x1, s1  }
0x8c: {  	s17 =	sshll.u32 s0, $0xA;
	s2 =	sadd.s32 s3, s2  }
0x8d: {  	s2 =	sadd.s32 s2, s17  }
0x8e: {  	[smem:$0x3FB9] =	sst s2  }
0x8f: {  	_ = 	snop  }
0x90: {  	s2 =	sld [smem:$0x3FC9];
	(tm) =	ssettm $0x1  }
0x91: {  	s18 =	sld [smem:$0x3FFB];
	_ =	sdelay $0x3  }
0x92: {  	_ =	strace s18  }
0x93: {  	s3 =	sld [smem:$0x3FFC];
	_ =	sdelay $0x3  }
0x94: {  	_ =	strace s3  }
0x95: {  	s3 =	sld [smem:$0x3FFD];
	_ =	sdelay $0x3  }
0x96: {  	_ =	strace s3  }
0x97: {  	_ =	strace $0x8FFFFFFF  }
0x98: {  	s19 =	sld [smem:$0x3FDB];
	_ =	sdelay $0x1  }
0x99: {  	s4 =	simm.s32 $_scs_section_size  }
0x9a: {  	s5 =	simm.s32 $_size__tile_overlayer_lowered;
	s6 =	simm.s32 $_tile_overlayer_lowered  }
0x9b: {  	s22 =	simm.s32 $0x1BFF;
	s21 =	sshll.u32 s6, $0x1;
	s3 =	sadd.s32 s4, s19  }
0x9c: {  	s7 =	simm.s32 $0x0;
	s20 =	sshll.u32 s5, $0x1;
	s5 =	sadd.s32 s21, s3  }
0x9d: {  	[timem:s7], [sflag:s22] =	dma.local [hbm:s5], s20  }
0x9e: {  	_ =	swait.ge [sflag:s22], s20  }
0x9f: {  	s4 =	ssub.s32 $0x0, s20;
	[sflag:s22] =	ssyncset.done $0x0  }
0xa0: {  	[sflag:s22] =	ssyncadd.s32 s4;
	_ =	sdelay $0x1  }
0xa1: {  	s23 =	simm.s32 $0x1B8B  }
0xa2: {  	_ =	swait.ge [sflag:s23], $0x1  }
0xa3: {  	[sflag:s23] =	ssyncset.done $0x0  }
0xa4: {  	s25 =	simm.s32 $0x1B8E;
	s24 =	sld [smem:$0x3FFE];
	[sflag:s23] =	ssyncadd.s32 $0xFFFFFFFF  }
0xa5: {  	s26 =	simm.s32 $execute0_lowered;
	[smem:$0x3FD2] =	sst s25  }
0xa6: {  	s5 =	sshll.u32 s26, $0x1;
	_ =	strace $0x80000046;
	[dreg:$0x1] =	wrdreg $0xFFFFFFFF  }
0xa7: {  	s28 =	simm.s32 $_size_execute0_lowered;
	s3 =	sadd.s32 s3, s5;
	[dreg:$0x0] =	wrdreg $0x0  }
0xa8: {  	s5 =	sshll.u32 s28, $0x1;
	[dreg:$0x2] =	wrdreg s3  }
0xa9: {  	[dreg:$0x3] =	wrdreg s5  }
0xaa: {  	[dreg:$0x4] =	wrdreg $0xC0  }
0xab: {  	_ =	task [dreg:s7], $0x5FFFF  }
0xac: {  	[dreg:$0x1] =	wrdreg $0xFFFFFFFF  }
0xad: {  	[dreg:$0x0] =	wrdreg $0x60  }
0xae: {  	[dreg:$0x2] =	wrdreg s2  }
0xaf: {  	[dreg:$0x3] =	wrdreg s24  }
0xb0: {  	[dreg:$0x4] =	wrdreg $0x9  }
0xb1: {  	_ =	task.clear_ibuf [dreg:s7], $0x5FFFF;
	_ =	strace $0x90000046  }
0xb2: {  	s29 =	simm.s32 $0x9;
	_ =	strace $0x80000048  }
0xb3: {  	_ =	swait.ge [sflag:s29], $0x1  }
0xb4: {  	[sflag:s29] =	ssyncadd.s32 $0xFFFFFFFF  }
0xb5: {  	_ =	strace $0x90000048  }
0xb6: {  	_ =	sfence  }
0xb7: {  	s30 =	sld [smem:$0x0];
	_ =	sdelay $0x2  }
0xb8: {  	s31 =	sshll.u32 s1, $0xD;
	s1 =	sshrl.u32 s1, $0x2  }
0xb9: {  	s3 =	sand.u32 $0x4000, s31;
	s1 =	sadd.s32 s1, s30  }
0xba: {  	s0 =	sor.u32 s3, s0;
	s1 =	sshll.u32 s1, $0x11  }
0xbb: {  	s0 =	sor.u32 s1, s0  }
0xbc: {  	s0 =	sadd.s32 $0x8F2B, s0  }
0xbd: {  	[sflag:s0] =	ssyncadd.remote.s32 $0x1  }
0xbe: {  	_ =	sfence.sel $0xFFFF  }
0xbf: {  	[dreg:$0x0] =	wrdreg $0xFFFFFFFF;
	(pc) =	sbr.abs _section_cstart, $3  }
0xc0: {  	[dreg:$0x1] =	wrdreg $0xFFFFFFFF  }
0xc1: {  	_ =	task.clear_ibuf [dreg:s7], $0x2FFFF;
	_ =	strace $0x9FFFFFFF  }
0xc2: {  	(tm) =	ssettm $0x7FFFFFFF  }
0xc3: {  	_ =	shalt  }
tec
execute0_lowered:
.L_overlay_start_1:
0x0: {  	(tag) =	ssettag $0x1  }
0x1: {  	s2 =	rddreg [dreg:$0x0];
	s1 =	srdreg.scid  }
0x2: {  	s0 =	stileid.u32;
	s4 =	rddreg [dreg:$0x1]  }
0x3: {  	s3 =	simm.s32 $0x0;
	s12 =	simm.s32 $0x1;
	s13 =	simm.s32 $0x80  }
0x4: {  	s14 =	simm.s32 $0x5400;
	s15 =	simm.s32 $0x2;
	s16 =	simm.s32 $0x1380  }
0x5: {  	s5 =	sand.u32 $0x1, s1;
	s6 =	sshll.u32 s0, $0x1;
	s9 =	smul.u32 $0x140000, s0  }
0x6: {  	s17 =	simm.s32 $0x0;
	s6 =	sor.u32 s5, s6;
	s11 =	smul.u32 $0xA0000, s5  }
0x7: {  	s1 =	rddreg [dreg:$0x2];
	s8 =	ssub.s32 $0x2, s5;
	s7 =	smul.u32 $0x280, s6  }
0x8: {  	[smem:$0x7FF] =	sst s3;
	s6 =	smul.u32 $0xA0000, s6;
	s26 =	sshrl.u32 s8, $0x1  }
0x9: {  	s10 =	sadd.s32 $0xE000, s4;
	_ =	strace $0x80000047;
	s28 =	ssub.s32 s8, s26  }
0xa: {  	s30 =	sadd.s32 s11, s9;
	s7 =	sadd.s32 s7, s4;
	s6 =	sshrl.u32 s6, $0x3  }
0xb: {  	s5 =	smax.u32 s28, $0x1;
	s9 =	sshrl.u32 s30, $0x3;
	s11 =	sor.u32 $0x4000, s30  }
0xc: {  	s4 =	sadd.s32 $0x9000, s7;
	s29 =	sadd.s32 s10, s6;
	s8 =	sadd.s32 s9, s10  }
0xd: {  	s31 =	sshrl.u32 s11, $0x3;
	s11 =	simm.s32 $0x1400;
	s6 =	sadd.s32 $0x13000, s29  }
0xe: {  	s7 =	sadd.s32 $0x13800, s29;
	s9 =	sadd.s32 s31, s10;
	s10 =	simm.s32 $0x3  }
.LBB2_1:
0xf: {  	[tilespmem:s3], [sflag:$0x3] =	stream.linear.gather [hbm4b:s4+s3], $0x1400, $0x38;
	[tilespmem:$0x9400] =	vst v63  }
0x10: {  	_ =	swait.ge [sflag:s10], $0x1400  }
0x11: {  	[sflag:s10] =	ssyncset.done $0x0  }
0x12: {  	[sflag:s10] =	ssyncadd.s32 $0xFFFFEC00  }
0x13: {  	[tilespmem:s11], [sflag:$0x1] =	stream.indirect.gather [hbm4b:s2+s13], $0x80, s3, s13, $0xb8;
	[tilespmem:$0x9400] =	vst v63  }
0x14: {  	_ =	swait.ge [sflag:s12], $0x4000  }
0x15: {  	[sflag:s12] =	ssyncset.done $0x0  }
0x16: {  	[sflag:s12] =	ssyncadd.s32 $0xFFFFC000  }
0x17: {  	[tilespmem:s14], [sflag:$0x2] =	stream.indirect.gather [hbm4b:s2+s13], $0x80, s13, s13, $0xb8;
	[tilespmem:$0x9400] =	vst v63  }
0x18: {  	s18 =	sadd.s32 $0x0, s8  }
0x19: {  	[hbm4b:s18+s3] =	stream.linear.scatter [tilespmem:s11], [sflag:$0x3], $0x4000, $0x38;
	[tilespmem:$0x9400] =	vst v63  }
0x1a: {  	_ =	swait.ge [sflag:s10], $0x4000  }
0x1b: {  	[sflag:s10] =	ssyncset.done $0x0  }
0x1c: {  	[sflag:s10] =	ssyncadd.s32 $0xFFFFC000  }
0x1d: {  	_ =	swait.ge [sflag:s15], $0x4000  }
0x1e: {  	[sflag:s15] =	ssyncset.done $0x0  }
0x1f: {  	s30 =	simm.s32 $0x100;
	[sflag:s15] =	ssyncadd.s32 $0xFFFFC000  }
0x20: {  	[tilespmem:s11], [sflag:$0x1] =	stream.indirect.gather [hbm4b:s2+s13], $0x80, s30, s13, $0xb8;
	[tilespmem:$0x9400] =	vst v63  }
0x21: {  	s31 =	sadd.s32 $0x0, s9  }
0x22: {  	[hbm4b:s31+s3] =	stream.linear.scatter [tilespmem:s14], [sflag:$0x3], $0x4000, $0x38;
	[tilespmem:$0x9400] =	vst v63  }
0x23: {  	_ =	swait.ge [sflag:s10], $0x4000  }
0x24: {  	s19 =	simm.s32 $0x80;
	s18 =	simm.s32 $0x1000;
	[sflag:s10] =	ssyncset.done $0x0  }
.LBB2_2:
0x25: {  	p0 =	sne.s32 s18, $0x12000;
	[sflag:s10] =	ssyncadd.s32 $0xFFFFC000;
	s19 =	sadd.s32 $0x100, s19  }
0x26: {  	s20 =	smov.u32 s18;
	s18 =	sadd.s32 $0x1000, s18  }
0x27: {  	_ =	swait.ge [sflag:s12], $0x4000  }
0x28: {  	[sflag:s12] =	ssyncset.done $0x0  }
0x29: {  	[sflag:s12] =	ssyncadd.s32 $0xFFFFC000  }
0x2a: {  	[tilespmem:s14], [sflag:$0x2] =	stream.indirect.gather [hbm4b:s2+s13], $0x80, s19, s13, $0xb8;
	[tilespmem:$0x9400] =	vst v63  }
0x2b: {  	s21 =	sadd.s32 s20, s8  }
0x2c: {  	[hbm4b:s21+s3] =	stream.linear.scatter [tilespmem:s11], [sflag:$0x3], $0x4000, $0x38;
	[tilespmem:$0x9400] =	vst v63  }
0x2d: {  	_ =	swait.ge [sflag:s10], $0x4000  }
0x2e: {  	[sflag:s10] =	ssyncset.done $0x0  }
0x2f: {  	[sflag:s10] =	ssyncadd.s32 $0xFFFFC000  }
0x30: {  	_ =	swait.ge [sflag:s15], $0x4000  }
0x31: {  	[sflag:s15] =	ssyncset.done $0x0  }
0x32: {  	s21 =	sadd.s32 $0x80, s19;
	[sflag:s15] =	ssyncadd.s32 $0xFFFFC000  }
0x33: {  	[tilespmem:s11], [sflag:$0x1] =	stream.indirect.gather [hbm4b:s2+s13], $0x80, s21, s13, $0xb8;
	[tilespmem:$0x9400] =	vst v63  }
.Ltmp0:
0x34: {  	_ = 	snop;
	(pc) =	sbr.rel @p0 .LBB2_2-.Ltmp0, $4  }
0x35: {  	s20 =	sadd.s32 s20, s9  }
0x36: {  	[hbm4b:s20+s3] =	stream.linear.scatter [tilespmem:s14], [sflag:$0x3], $0x4000, $0x38;
	[tilespmem:$0x9400] =	vst v63  }
0x37: {  	_ =	swait.ge [sflag:s10], $0x4000  }
0x38: {  	[sflag:s10] =	ssyncset.done $0x0  }
0x39: {  	[sflag:s10] =	ssyncadd.s32 $0xFFFFC000  }
0x3a: {  	_ =	swait.ge [sflag:s12], $0x4000  }
0x3b: {  	[sflag:s12] =	ssyncset.done $0x0  }
0x3c: {  	[sflag:s12] =	ssyncadd.s32 $0xFFFFC000  }
0x3d: {  	[tilespmem:s14], [sflag:$0x2] =	stream.indirect.gather [hbm4b:s2+s13], $0x80, s16, s13, $0xb8;
	[tilespmem:$0x9400] =	vst v63  }
0x3e: {  	_ = 	snop  }
0x3f: {  	[hbm4b:s6+s3] =	stream.linear.scatter [tilespmem:s11], [sflag:$0x3], $0x4000, $0x38;
	[tilespmem:$0x9400] =	vst v63  }
0x40: {  	_ =	swait.ge [sflag:s10], $0x4000  }
0x41: {  	[sflag:s10] =	ssyncset.done $0x0  }
0x42: {  	[sflag:s10] =	ssyncadd.s32 $0xFFFFC000  }
0x43: {  	s17 =	sadd.s32 $0x1, s17;
	_ =	swait.ge [sflag:s15], $0x4000  }
0x44: {  	p0 =	sne.s32 s17, s5;
	[sflag:s15] =	ssyncset.done $0x0  }
.Ltmp1:
0x45: {  	[sflag:s15] =	ssyncadd.s32 $0xFFFFC000;
	(pc) =	sbr.rel @p0 .LBB2_1-.Ltmp1, $4  }
0x46: {  	[hbm4b:s7+s3] =	stream.linear.scatter [tilespmem:s14], [sflag:$0x3], $0x4000, $0x38;
	[tilespmem:$0x9400] =	vst v63  }
0x47: {  	_ =	swait.ge [sflag:s10], $0x4000  }
0x48: {  	[sflag:s10] =	ssyncset.done $0x0  }
0x49: {  	[sflag:s10] =	ssyncadd.s32 $0xFFFFC000  }
0x4a: {  	_ =	sfence.sel $0x180000  }
0x4b: {  	[bflag:$0x0] =	sbarrier.arrive $0xFFFF  }
0x4c: {  	p0 =	sne.s32 s0, $0x0;
	_ =	strace $0x90000047  }
0x4d: {  	s0 =	sadd.s32 @!p0 $0x100000, s1;
	[bflag:$0x2] =	sbarrier.arrive $0xFFFF  }
0x4e: {  	[sflag:s0] =	ssyncadd.tile.s32 @!p0 $0x1;
	_ =	shalt  }
.Lfunc_end2:
_tile_overlayer_lowered:
.L_overlay_start_2:
0x4f: {  	(tag) =	ssettag $0x2  }
0x50: {  	s0 =	rddreg [dreg:$0x0];
	s2 =	stileid.u32  }
0x51: {  	s1 =	rddreg [dreg:$0x1];
	p0 =	sne.s32 s2, $0x0  }
0x52: {  	s3 =	rddreg [dreg:$0x2];
	[bflag:$0x3] =	sbarrier.arrive $0xFFFF;
	s2 =	simm.s32 @!p0 $0x1C03  }
0x53: {  	[timem:s3], [sflag:s2] =	dma.local @!p0 [hbm:s0], s1  }
0x54: {  	s0 =	simm.s32 @!p0 $0x3  }
0x55: {  	_ =	swait.ge @!p0 [sflag:s0], s1  }
0x56: {  	s1 =	ssub.s32 @!p0 $0x0, s1;
	[sflag:s0] =	ssyncset.done @!p0 $0x0  }
0x57: {  	[sflag:s0] =	ssyncadd.s32 @!p0 s1  }
0x58: {  	[bflag:$0x3] =	sbarrier.arrive $0xFFFF  }
0x59: {  	_ =	shalt  }

// kernel: kernel.17.cloned.1.call-start
scs
__scs_entry_jumppad:
0x0: {  	(pc) =	sbr.rel $0x88, $3  }
0x1: {  	(tag) =	ssettag $0x0;
	lr =	simm.s32 $0x1  }
0x2: {  	[smem:$0x3F92] =	sst lr;
	_ =	strace $0xD0000000  }
0x3: {  	_ = 	snop  }
0x4: {  	_ = 	snop  }
0x5: {  	_ = 	snop  }
0x6: {  	_ = 	snop  }
0x7: {  	_ = 	snop  }
__scs_overlays_trampoline_lowered:
0x8: {  	[smem:$0x3FA1] =	sst s0  }
0x9: {  	[smem:$0x3FA2] =	sst s1  }
0xa: {  	[smem:$0x3FA3] =	sst s2  }
0xb: {  	[smem:$0x3FA4] =	sst s3  }
0xc: {  	[smem:$0x3FA5] =	sst s4  }
0xd: {  	[smem:$0x3FA6] =	sst s5  }
0xe: {  	[smem:$0x3FA7] =	sst s6  }
0xf: {  	[smem:$0x3FA8] =	sst s7  }
0x10: {  	[smem:$0x3FA9] =	sst s8  }
0x11: {  	[smem:$0x3FAA] =	sst s9;
	s0 =	simm.s32 @!p0 $0x0  }
0x12: {  	s1 =	sld [smem:$0x3F90];
	s0 =	simm.s32 @p0 $0x1  }
0x13: {  	[smem:$0x3FAB] =	sst s0;
	s0 =	simm.s32 @!p1 $0x0  }
0x14: {  	s2 =	sld [smem:$0x3F8F];
	s0 =	simm.s32 @p1 $0x1  }
0x15: {  	[smem:$0x3FAC] =	sst s0;
	s0 =	simm.s32 @!p2 $0x0  }
0x16: {  	s3 =	sld [smem:$0x3FDB];
	s0 =	simm.s32 @p2 $0x1  }
0x17: {  	s4 =	simm.s32 $0x1BF5;
	[smem:$0x3FAE] =	sst s0  }
0x18: {  	s0 =	sld [smem:$0x3F91];
	_ =	swait.ge [sflag:s4], $0x0  }
0x19: {  	s7 =	sld [smem:$0x3F92]  }
0x1a: {  	s8 =	sadd.s32 $0xFFFFE003, lr  }
0x1b: {  	s9 =	sadd.s32 $0xFFFFFEF7, lr;
	s5 =	simm.s32 $0xFFFFFFFF;
	p2 =	slt.u32 s8, $0xFFFFF086  }
0x1c: {  	p1 =	slt.u32 s9, $0xF7A;
	s5 =	simm.s32 @!p2 $0x0  }
0x1d: {  	s5 =	simm.s32 @p1 $0x1;
	p0 =	seq.s32 s7, s2  }
0x1e: {  	s7 =	smul.u32 @!p0 $0xF7A, s2;
	p2 =	seq.s32 @!p0 s5, $0x0  }
0x1f: {  	s9 =	smul.u32 $0xF7A, s1;
	s8 =	simm.s32 @!p0 $0x1BF5;
	p2 =	por !p2, p0  }
0x20: {  	[sflag:s8] =	ssyncset.s32 @!p0 $0xFFFFF086;
	s6 =	sadd.s32 @!p0 s3, s7;
	s7 =	simm.s32 @!p0 $0x108  }
0x21: {  	s3 =	sadd.s32 s3, s9;
	s6 =	sadd.s32 @!p0 $0x88, s6;
	s7 =	simm.s32 @p2 $0x1082  }
0x22: {  	[simem:s7], [sflag:s8] =	dma.local @!p0 [hbm:s6], $0xF7A  }
0x23: {  	s9 =	sor.u32 $0xD0000000, s2;
	s6 =	simm.s32 $0x108;
	_ =	swait.ge @!p0 [sflag:s8], $0x0  }
0x24: {  	s3 =	sadd.s32 $0x88, s3;
	s6 =	simm.s32 @!p1 $0x1082;
	[sflag:s4] =	ssyncset.s32 $0xFFFFF086  }
0x25: {  	[simem:s6], [sflag:s4] =	dma.local [hbm:s3], $0xF7A  }
0x26: {  	[smem:$0x3F92] =	sst s1;
	(tag) =	ssettag s2;
	_ =	strace s9  }
0x27: {  	s1 =	sld [smem:$0x3FA2]  }
0x28: {  	s2 =	sld [smem:$0x3FA3]  }
0x29: {  	s4 =	sld [smem:$0x3FA5]  }
0x2a: {  	p0 =	seq.s32 s5, $0x0;
	s5 =	sld [smem:$0x3FA6]  }
0x2b: {  	s6 =	sld [smem:$0x3FA7]  }
0x2c: {  	s7 =	sld [smem:$0x3FA8]  }
0x2d: {  	s3 =	simm.s32 $0x108;
	s8 =	sld [smem:$0x3FA9]  }
0x2e: {  	s3 =	simm.s32 @!p0 $0x1082;
	s9 =	sld [smem:$0x3FAA]  }
0x2f: {  	lr =	sadd.s32 s0, s3;
	s0 =	sld [smem:$0x3FA1]  }
0x30: {  	s3 =	sld [smem:$0x3FA4]  }
0x31: {  	[smem:$0x3FAD] =	sst s10  }
0x32: {  	s10 =	sld [smem:$0x3FAB];
	_ =	sdelay $0x3  }
0x33: {  	p0 =	seq.s32 s10, $0x1;
	s10 =	sld [smem:$0x3FAD];
	_ =	sdelay $0x3  }
0x34: {  	[smem:$0x3FAD] =	sst s10  }
0x35: {  	s10 =	sld [smem:$0x3FAC];
	_ =	sdelay $0x3  }
0x36: {  	p1 =	seq.s32 s10, $0x1;
	s10 =	sld [smem:$0x3FAD];
	_ =	sdelay $0x3  }
0x37: {  	[smem:$0x3FAD] =	sst s10  }
0x38: {  	s10 =	sld [smem:$0x3FAE]  }
0x39: {  	_ = 	snop;
	(pc) =	sbr.ind lr, $3  }
0x3a: {  	_ = 	snop  }
0x3b: {  	_ = 	snop  }
0x3c: {  	p2 =	seq.s32 s10, $0x1;
	s10 =	sld [smem:$0x3FAD]  }
0x3d: {  	_ =	shalt  }
0x3e: {  	_ =	shalt  }
0x3f: {  	_ =	shalt  }
0x40: {  	_ =	shalt  }
0x41: {  	_ =	shalt  }
0x42: {  	_ =	shalt  }
0x43: {  	_ =	shalt  }
0x44: {  	_ =	shalt  }
0x45: {  	_ =	shalt  }
0x46: {  	_ =	shalt  }
0x47: {  	_ =	shalt  }
0x48: {  	_ =	shalt  }
0x49: {  	_ =	shalt  }
0x4a: {  	_ =	shalt  }
0x4b: {  	_ =	shalt  }
0x4c: {  	_ =	shalt  }
0x4d: {  	_ =	shalt  }
0x4e: {  	_ =	shalt  }
0x4f: {  	_ =	shalt  }
0x50: {  	_ =	shalt  }
0x51: {  	_ =	shalt  }
0x52: {  	_ =	shalt  }
0x53: {  	_ =	shalt  }
0x54: {  	_ =	shalt  }
0x55: {  	_ =	shalt  }
0x56: {  	_ =	shalt  }
0x57: {  	_ =	shalt  }
0x58: {  	_ =	shalt  }
0x59: {  	_ =	shalt  }
0x5a: {  	_ =	shalt  }
0x5b: {  	_ =	shalt  }
0x5c: {  	_ =	shalt  }
0x5d: {  	_ =	shalt  }
0x5e: {  	_ =	shalt  }
0x5f: {  	_ =	shalt  }
0x60: {  	_ =	shalt  }
0x61: {  	_ =	shalt  }
0x62: {  	_ =	shalt  }
0x63: {  	_ =	shalt  }
0x64: {  	_ =	shalt  }
0x65: {  	_ =	shalt  }
0x66: {  	_ =	shalt  }
0x67: {  	_ =	shalt  }
0x68: {  	_ =	shalt  }
0x69: {  	_ =	shalt  }
0x6a: {  	_ =	shalt  }
0x6b: {  	_ =	shalt  }
0x6c: {  	_ =	shalt  }
0x6d: {  	_ =	shalt  }
0x6e: {  	_ =	shalt  }
0x6f: {  	_ =	shalt  }
0x70: {  	_ =	shalt  }
0x71: {  	_ =	shalt  }
0x72: {  	_ =	shalt  }
0x73: {  	_ =	shalt  }
0x74: {  	_ =	shalt  }
0x75: {  	_ =	shalt  }
0x76: {  	_ =	shalt  }
0x77: {  	_ =	shalt  }
0x78: {  	_ =	shalt  }
0x79: {  	_ =	shalt  }
0x7a: {  	_ =	shalt  }
0x7b: {  	_ =	shalt  }
0x7c: {  	_ =	shalt  }
0x7d: {  	_ =	shalt  }
0x7e: {  	_ =	shalt  }
0x7f: {  	_ =	shalt  }
0x80: {  	_ =	shalt  }
0x81: {  	_ =	shalt  }
0x82: {  	_ =	shalt  }
0x83: {  	_ =	shalt  }
0x84: {  	_ =	shalt  }
0x85: {  	_ =	shalt  }
0x86: {  	_ =	shalt  }
0x87: {  	_ =	shalt  }
.Lfunc_end0:
.L_simem_size_0:
called_computation.1_lowered:
.L_overlay_start_0:
0x88: {  	s2 =	sld [smem:$0x3FD9]  }
0x89: {  	s3 =	sld [smem:$0x3FFE];
	_ =	sdelay $0x1  }
0x8a: {  	s1 =	srdreg.scid  }
0x8b: {  	s0 =	sand.u32 $0x1, s1  }
0x8c: {  	s16 =	sshll.u32 s0, $0xA;
	s2 =	sadd.s32 s3, s2  }
0x8d: {  	s2 =	sadd.s32 s2, s16  }
0x8e: {  	[smem:$0x3FB9] =	sst s2  }
0x8f: {  	_ = 	snop  }
0x90: {  	(tm) =	ssettm $0x1  }
0x91: {  	s17 =	sld [smem:$0x3FFB];
	_ =	sdelay $0x3  }
0x92: {  	_ =	strace s17  }
0x93: {  	s2 =	sld [smem:$0x3FFC];
	_ =	sdelay $0x3  }
0x94: {  	_ =	strace s2  }
0x95: {  	s2 =	sld [smem:$0x3FFD];
	_ =	sdelay $0x3  }
0x96: {  	_ =	strace s2  }
0x97: {  	_ =	strace $0x8FFFFFFF  }
0x98: {  	s18 =	sld [smem:$0x3FDB];
	_ =	sdelay $0x1  }
0x99: {  	s19 =	simm.s32 $_scs_section_size  }
0x9a: {  	s4 =	simm.s32 $_size__tile_overlayer_lowered;
	s5 =	simm.s32 $_tile_overlayer_lowered  }
0x9b: {  	s22 =	simm.s32 $0x1BFF;
	s21 =	sshll.u32 s5, $0x1;
	s2 =	sadd.s32 s19, s18  }
0x9c: {  	s6 =	simm.s32 $0x0;
	s20 =	sshll.u32 s4, $0x1;
	s4 =	sadd.s32 s21, s2  }
0x9d: {  	[timem:s6], [sflag:s22] =	dma.local [hbm:s4], s20  }
0x9e: {  	_ =	swait.ge [sflag:s22], s20  }
0x9f: {  	s3 =	ssub.s32 $0x0, s20;
	[sflag:s22] =	ssyncset.done $0x0  }
0xa0: {  	[sflag:s22] =	ssyncadd.s32 s3;
	_ =	sdelay $0x1  }
0xa1: {  	s23 =	simm.s32 $0x1B8B  }
0xa2: {  	_ =	swait.ge [sflag:s23], $0x1  }
0xa3: {  	[sflag:s23] =	ssyncset.done $0x0  }
0xa4: {  	s25 =	simm.s32 $0x1B8E;
	s24 =	sld [smem:$0x3FFE];
	[sflag:s23] =	ssyncadd.s32 $0xFFFFFFFF  }
0xa5: {  	s26 =	simm.s32 $execute0_lowered;
	[smem:$0x3FD2] =	sst s25  }
0xa6: {  	s4 =	sshll.u32 s26, $0x1;
	_ =	strace $0x80000049;
	[dreg:$0x1] =	wrdreg $0xFFFFFFFF  }
0xa7: {  	s28 =	simm.s32 $_size_execute0_lowered;
	s2 =	sadd.s32 s2, s4;
	[dreg:$0x0] =	wrdreg $0x0  }
0xa8: {  	s4 =	sshll.u32 s28, $0x1;
	[dreg:$0x2] =	wrdreg s2  }
0xa9: {  	[dreg:$0x3] =	wrdreg s4  }
0xaa: {  	[dreg:$0x4] =	wrdreg $0xC0  }
0xab: {  	_ =	task [dreg:s6], $0x5FFFF  }
0xac: {  	[dreg:$0x1] =	wrdreg $0xFFFFFFFF  }
0xad: {  	[dreg:$0x0] =	wrdreg $0x60  }
0xae: {  	[dreg:$0x2] =	wrdreg s24  }
0xaf: {  	[dreg:$0x3] =	wrdreg $0x9  }
0xb0: {  	_ =	task.clear_ibuf [dreg:s6], $0x4FFFF;
	_ =	strace $0x90000049  }
0xb1: {  	s29 =	simm.s32 $0x9;
	_ =	strace $0x8000004B  }
0xb2: {  	_ =	swait.ge [sflag:s29], $0x1  }
0xb3: {  	[sflag:s29] =	ssyncadd.s32 $0xFFFFFFFF  }
0xb4: {  	_ =	strace $0x9000004B  }
0xb5: {  	_ =	sfence  }
0xb6: {  	s30 =	sld [smem:$0x0];
	_ =	sdelay $0x2  }
0xb7: {  	s31 =	sshll.u32 s1, $0xD;
	s1 =	sshrl.u32 s1, $0x2  }
0xb8: {  	s3 =	sand.u32 $0x4000, s31;
	s1 =	sadd.s32 s1, s30  }
0xb9: {  	s0 =	sor.u32 s3, s0;
	s1 =	sshll.u32 s1, $0x11  }
0xba: {  	s0 =	sor.u32 s1, s0  }
0xbb: {  	s0 =	sadd.s32 $0x8F2B, s0  }
0xbc: {  	[sflag:s0] =	ssyncadd.remote.s32 $0x1  }
0xbd: {  	_ =	sfence.sel $0xFFFF  }
0xbe: {  	[dreg:$0x0] =	wrdreg $0xFFFFFFFF;
	(pc) =	sbr.abs _section_cstart, $3  }
0xbf: {  	[dreg:$0x1] =	wrdreg $0xFFFFFFFF  }
0xc0: {  	_ =	task.clear_ibuf [dreg:s6], $0x2FFFF;
	_ =	strace $0x9FFFFFFF  }
0xc1: {  	(tm) =	ssettm $0x7FFFFFFF  }
tec
execute0_lowered:
.L_overlay_start_1:
0x0: {  	(tag) =	ssettag $0x1  }
0x1: {  	s1 =	srdreg.scid  }
0x2: {  	s0 =	stileid.u32;
	s4 =	rddreg [dreg:$0x0];
	s2 =	simm.s32 $0x0  }
0x3: {  	s12 =	simm.s32 $0x1;
	s13 =	simm.s32 $0x80;
	s14 =	simm.s32 $0x5400  }
0x4: {  	s15 =	simm.s32 $0x2;
	s16 =	simm.s32 $0x1380;
	s17 =	simm.s32 $0x0  }
0x5: {  	s5 =	sand.u32 $0x1, s1;
	s3 =	sshll.u32 s0, $0x1;
	s9 =	smul.u32 $0x140000, s0  }
0x6: {  	s1 =	rddreg [dreg:$0x1];
	s6 =	sor.u32 s5, s3;
	s11 =	smul.u32 $0xA0000, s5  }
0x7: {  	[smem:$0x7FF] =	sst s2;
	s8 =	ssub.s32 $0x2, s5;
	s7 =	smul.u32 $0x280, s6  }
0x8: {  	s10 =	sadd.s32 $0x293000, s4;
	s6 =	smul.u32 $0xA0000, s6;
	s26 =	sshrl.u32 s8, $0x1  }
0x9: {  	_ =	strace $0x8000004A;
	s3 =	sadd.s32 $0xE000, s4;
	s28 =	ssub.s32 s8, s26  }
0xa: {  	s30 =	sadd.s32 s11, s9;
	s7 =	sadd.s32 s7, s4;
	s6 =	sshrl.u32 s6, $0x3  }
0xb: {  	s5 =	smax.u32 s28, $0x1;
	s9 =	sshrl.u32 s30, $0x3;
	s11 =	sor.u32 $0x4000, s30  }
0xc: {  	s4 =	sadd.s32 $0x9000, s7;
	s29 =	sadd.s32 s10, s6;
	s8 =	sadd.s32 s9, s10  }
0xd: {  	s31 =	sshrl.u32 s11, $0x3;
	s11 =	simm.s32 $0x1400;
	s6 =	sadd.s32 $0x13000, s29  }
0xe: {  	s7 =	sadd.s32 $0x13800, s29;
	s9 =	sadd.s32 s31, s10;
	s10 =	simm.s32 $0x3  }
.LBB2_1:
0xf: {  	[tilespmem:s2], [sflag:$0x3] =	stream.linear.gather [hbm4b:s4+s2], $0x1400, $0x38;
	[tilespmem:$0x9400] =	vst v63  }
0x10: {  	_ =	swait.ge [sflag:s10], $0x1400  }
0x11: {  	[sflag:s10] =	ssyncset.done $0x0  }
0x12: {  	[sflag:s10] =	ssyncadd.s32 $0xFFFFEC00  }
0x13: {  	[tilespmem:s11], [sflag:$0x1] =	stream.indirect.gather [hbm4b:s3+s13], $0x80, s2, s13, $0xb8;
	[tilespmem:$0x9400] =	vst v63  }
0x14: {  	_ =	swait.ge [sflag:s12], $0x4000  }
0x15: {  	[sflag:s12] =	ssyncset.done $0x0  }
0x16: {  	[sflag:s12] =	ssyncadd.s32 $0xFFFFC000  }
0x17: {  	[tilespmem:s14], [sflag:$0x2] =	stream.indirect.gather [hbm4b:s3+s13], $0x80, s13, s13, $0xb8;
	[tilespmem:$0x9400] =	vst v63  }
0x18: {  	s18 =	sadd.s32 $0x0, s8  }
0x19: {  	[hbm4b:s18+s2] =	stream.linear.scatter [tilespmem:s11], [sflag:$0x3], $0x4000, $0x38;
	[tilespmem:$0x9400] =	vst v63  }
0x1a: {  	_ =	swait.ge [sflag:s10], $0x4000  }
0x1b: {  	[sflag:s10] =	ssyncset.done $0x0  }
0x1c: {  	[sflag:s10] =	ssyncadd.s32 $0xFFFFC000  }
0x1d: {  	_ =	swait.ge [sflag:s15], $0x4000  }
0x1e: {  	[sflag:s15] =	ssyncset.done $0x0  }
0x1f: {  	s30 =	simm.s32 $0x100;
	[sflag:s15] =	ssyncadd.s32 $0xFFFFC000  }
0x20: {  	[tilespmem:s11], [sflag:$0x1] =	stream.indirect.gather [hbm4b:s3+s13], $0x80, s30, s13, $0xb8;
	[tilespmem:$0x9400] =	vst v63  }
0x21: {  	s31 =	sadd.s32 $0x0, s9  }
0x22: {  	[hbm4b:s31+s2] =	stream.linear.scatter [tilespmem:s14], [sflag:$0x3], $0x4000, $0x38;
	[tilespmem:$0x9400] =	vst v63  }
0x23: {  	_ =	swait.ge [sflag:s10], $0x4000  }
0x24: {  	s19 =	simm.s32 $0x80;
	s18 =	simm.s32 $0x1000;
	[sflag:s10] =	ssyncset.done $0x0  }
.LBB2_2:
0x25: {  	p0 =	sne.s32 s18, $0x12000;
	[sflag:s10] =	ssyncadd.s32 $0xFFFFC000;
	s19 =	sadd.s32 $0x100, s19  }
0x26: {  	s20 =	smov.u32 s18;
	s18 =	sadd.s32 $0x1000, s18  }
0x27: {  	_ =	swait.ge [sflag:s12], $0x4000  }
0x28: {  	[sflag:s12] =	ssyncset.done $0x0  }
0x29: {  	[sflag:s12] =	ssyncadd.s32 $0xFFFFC000  }
0x2a: {  	[tilespmem:s14], [sflag:$0x2] =	stream.indirect.gather [hbm4b:s3+s13], $0x80, s19, s13, $0xb8;
	[tilespmem:$0x9400] =	vst v63  }
0x2b: {  	s21 =	sadd.s32 s20, s8  }
0x2c: {  	[hbm4b:s21+s2] =	stream.linear.scatter [tilespmem:s11], [sflag:$0x3], $0x4000, $0x38;
	[tilespmem:$0x9400] =	vst v63  }
0x2d: {  	_ =	swait.ge [sflag:s10], $0x4000  }
0x2e: {  	[sflag:s10] =	ssyncset.done $0x0  }
0x2f: {  	[sflag:s10] =	ssyncadd.s32 $0xFFFFC000  }
0x30: {  	_ =	swait.ge [sflag:s15], $0x4000  }
0x31: {  	[sflag:s15] =	ssyncset.done $0x0  }
0x32: {  	s21 =	sadd.s32 $0x80, s19;
	[sflag:s15] =	ssyncadd.s32 $0xFFFFC000  }
0x33: {  	[tilespmem:s11], [sflag:$0x1] =	stream.indirect.gather [hbm4b:s3+s13], $0x80, s21, s13, $0xb8;
	[tilespmem:$0x9400] =	vst v63  }
.Ltmp0:
0x34: {  	_ = 	snop;
	(pc) =	sbr.rel @p0 .LBB2_2-.Ltmp0, $4  }
0x35: {  	s20 =	sadd.s32 s20, s9  }
0x36: {  	[hbm4b:s20+s2] =	stream.linear.scatter [tilespmem:s14], [sflag:$0x3], $0x4000, $0x38;
	[tilespmem:$0x9400] =	vst v63  }
0x37: {  	_ =	swait.ge [sflag:s10], $0x4000  }
0x38: {  	[sflag:s10] =	ssyncset.done $0x0  }
0x39: {  	[sflag:s10] =	ssyncadd.s32 $0xFFFFC000  }
0x3a: {  	_ =	swait.ge [sflag:s12], $0x4000  }
0x3b: {  	[sflag:s12] =	ssyncset.done $0x0  }
0x3c: {  	[sflag:s12] =	ssyncadd.s32 $0xFFFFC000  }
0x3d: {  	[tilespmem:s14], [sflag:$0x2] =	stream.indirect.gather [hbm4b:s3+s13], $0x80, s16, s13, $0xb8;
	[tilespmem:$0x9400] =	vst v63  }
0x3e: {  	_ = 	snop  }
0x3f: {  	[hbm4b:s6+s2] =	stream.linear.scatter [tilespmem:s11], [sflag:$0x3], $0x4000, $0x38;
	[tilespmem:$0x9400] =	vst v63  }
0x40: {  	_ =	swait.ge [sflag:s10], $0x4000  }
0x41: {  	[sflag:s10] =	ssyncset.done $0x0  }
0x42: {  	[sflag:s10] =	ssyncadd.s32 $0xFFFFC000  }
0x43: {  	s17 =	sadd.s32 $0x1, s17;
	_ =	swait.ge [sflag:s15], $0x4000  }
0x44: {  	p0 =	sne.s32 s17, s5;
	[sflag:s15] =	ssyncset.done $0x0  }
.Ltmp1:
0x45: {  	[sflag:s15] =	ssyncadd.s32 $0xFFFFC000;
	(pc) =	sbr.rel @p0 .LBB2_1-.Ltmp1, $4  }
0x46: {  	[hbm4b:s7+s2] =	stream.linear.scatter [tilespmem:s14], [sflag:$0x3], $0x4000, $0x38;
	[tilespmem:$0x9400] =	vst v63  }
0x47: {  	_ =	swait.ge [sflag:s10], $0x4000  }
0x48: {  	[sflag:s10] =	ssyncset.done $0x0  }
0x49: {  	[sflag:s10] =	ssyncadd.s32 $0xFFFFC000  }
0x4a: {  	_ =	sfence.sel $0x180000  }
0x4b: {  	[bflag:$0x0] =	sbarrier.arrive $0xFFFF  }
0x4c: {  	p0 =	sne.s32 s0, $0x0;
	_ =	strace $0x9000004A  }
0x4d: {  	s0 =	sadd.s32 @!p0 $0x100000, s1;
	[bflag:$0x2] =	sbarrier.arrive $0xFFFF  }
0x4e: {  	[sflag:s0] =	ssyncadd.tile.s32 @!p0 $0x1;
	_ =	shalt  }
.Lfunc_end2:
_tile_overlayer_lowered:
.L_overlay_start_2:
0x4f: {  	(tag) =	ssettag $0x2  }
0x50: {  	s0 =	rddreg [dreg:$0x0];
	s2 =	stileid.u32  }
0x51: {  	s1 =	rddreg [dreg:$0x1];
	p0 =	sne.s32 s2, $0x0  }
0x52: {  	s3 =	rddreg [dreg:$0x2];
	[bflag:$0x3] =	sbarrier.arrive $0xFFFF;
	s2 =	simm.s32 @!p0 $0x1C03  }
0x53: {  	[timem:s3], [sflag:s2] =	dma.local @!p0 [hbm:s0], s1  }
0x54: {  	s0 =	simm.s32 @!p0 $0x3  }
0x55: {  	_ =	swait.ge @!p0 [sflag:s0], s1  }
0x56: {  	s1 =	ssub.s32 @!p0 $0x0, s1;
	[sflag:s0] =	ssyncset.done @!p0 $0x0  }
0x57: {  	[sflag:s0] =	ssyncadd.s32 @!p0 s1  }
0x58: {  	[bflag:$0x3] =	sbarrier.arrive $0xFFFF  }
0x59: {  	_ =	shalt  }

// kernel: kernel.20.cloned.1.call-start
scs
__scs_entry_jumppad:
0x0: {  	(pc) =	sbr.rel $0x88, $3  }
0x1: {  	(tag) =	ssettag $0x0;
	lr =	simm.s32 $0x1  }
0x2: {  	[smem:$0x3F92] =	sst lr;
	_ =	strace $0xD0000000  }
0x3: {  	_ = 	snop  }
0x4: {  	_ = 	snop  }
0x5: {  	_ = 	snop  }
0x6: {  	_ = 	snop  }
0x7: {  	_ = 	snop  }
__scs_overlays_trampoline_lowered:
0x8: {  	[smem:$0x3FA1] =	sst s0  }
0x9: {  	[smem:$0x3FA2] =	sst s1  }
0xa: {  	[smem:$0x3FA3] =	sst s2  }
0xb: {  	[smem:$0x3FA4] =	sst s3  }
0xc: {  	[smem:$0x3FA5] =	sst s4  }
0xd: {  	[smem:$0x3FA6] =	sst s5  }
0xe: {  	[smem:$0x3FA7] =	sst s6  }
0xf: {  	[smem:$0x3FA8] =	sst s7  }
0x10: {  	[smem:$0x3FA9] =	sst s8  }
0x11: {  	[smem:$0x3FAA] =	sst s9;
	s0 =	simm.s32 @!p0 $0x0  }
0x12: {  	s1 =	sld [smem:$0x3F90];
	s0 =	simm.s32 @p0 $0x1  }
0x13: {  	[smem:$0x3FAB] =	sst s0;
	s0 =	simm.s32 @!p1 $0x0  }
0x14: {  	s2 =	sld [smem:$0x3F8F];
	s0 =	simm.s32 @p1 $0x1  }
0x15: {  	[smem:$0x3FAC] =	sst s0;
	s0 =	simm.s32 @!p2 $0x0  }
0x16: {  	s3 =	sld [smem:$0x3FDB];
	s0 =	simm.s32 @p2 $0x1  }
0x17: {  	s4 =	simm.s32 $0x1BF5;
	[smem:$0x3FAE] =	sst s0  }
0x18: {  	s0 =	sld [smem:$0x3F91];
	_ =	swait.ge [sflag:s4], $0x0  }
0x19: {  	s7 =	sld [smem:$0x3F92]  }
0x1a: {  	s8 =	sadd.s32 $0xFFFFE003, lr  }
0x1b: {  	s9 =	sadd.s32 $0xFFFFFEF7, lr;
	s5 =	simm.s32 $0xFFFFFFFF;
	p2 =	slt.u32 s8, $0xFFFFF086  }
0x1c: {  	p1 =	slt.u32 s9, $0xF7A;
	s5 =	simm.s32 @!p2 $0x0  }
0x1d: {  	s5 =	simm.s32 @p1 $0x1;
	p0 =	seq.s32 s7, s2  }
0x1e: {  	s7 =	smul.u32 @!p0 $0xF7A, s2;
	p2 =	seq.s32 @!p0 s5, $0x0  }
0x1f: {  	s9 =	smul.u32 $0xF7A, s1;
	s8 =	simm.s32 @!p0 $0x1BF5;
	p2 =	por !p2, p0  }
0x20: {  	[sflag:s8] =	ssyncset.s32 @!p0 $0xFFFFF086;
	s6 =	sadd.s32 @!p0 s3, s7;
	s7 =	simm.s32 @!p0 $0x108  }
0x21: {  	s3 =	sadd.s32 s3, s9;
	s6 =	sadd.s32 @!p0 $0x88, s6;
	s7 =	simm.s32 @p2 $0x1082  }
0x22: {  	[simem:s7], [sflag:s8] =	dma.local @!p0 [hbm:s6], $0xF7A  }
0x23: {  	s9 =	sor.u32 $0xD0000000, s2;
	s6 =	simm.s32 $0x108;
	_ =	swait.ge @!p0 [sflag:s8], $0x0  }
0x24: {  	s3 =	sadd.s32 $0x88, s3;
	s6 =	simm.s32 @!p1 $0x1082;
	[sflag:s4] =	ssyncset.s32 $0xFFFFF086  }
0x25: {  	[simem:s6], [sflag:s4] =	dma.local [hbm:s3], $0xF7A  }
0x26: {  	[smem:$0x3F92] =	sst s1;
	(tag) =	ssettag s2;
	_ =	strace s9  }
0x27: {  	s1 =	sld [smem:$0x3FA2]  }
0x28: {  	s2 =	sld [smem:$0x3FA3]  }
0x29: {  	s4 =	sld [smem:$0x3FA5]  }
0x2a: {  	p0 =	seq.s32 s5, $0x0;
	s5 =	sld [smem:$0x3FA6]  }
0x2b: {  	s6 =	sld [smem:$0x3FA7]  }
0x2c: {  	s7 =	sld [smem:$0x3FA8]  }
0x2d: {  	s3 =	simm.s32 $0x108;
	s8 =	sld [smem:$0x3FA9]  }
0x2e: {  	s3 =	simm.s32 @!p0 $0x1082;
	s9 =	sld [smem:$0x3FAA]  }
0x2f: {  	lr =	sadd.s32 s0, s3;
	s0 =	sld [smem:$0x3FA1]  }
0x30: {  	s3 =	sld [smem:$0x3FA4]  }
0x31: {  	[smem:$0x3FAD] =	sst s10  }
0x32: {  	s10 =	sld [smem:$0x3FAB];
	_ =	sdelay $0x3  }
0x33: {  	p0 =	seq.s32 s10, $0x1;
	s10 =	sld [smem:$0x3FAD];
	_ =	sdelay $0x3  }
0x34: {  	[smem:$0x3FAD] =	sst s10  }
0x35: {  	s10 =	sld [smem:$0x3FAC];
	_ =	sdelay $0x3  }
0x36: {  	p1 =	seq.s32 s10, $0x1;
	s10 =	sld [smem:$0x3FAD];
	_ =	sdelay $0x3  }
0x37: {  	[smem:$0x3FAD] =	sst s10  }
0x38: {  	s10 =	sld [smem:$0x3FAE]  }
0x39: {  	_ = 	snop;
	(pc) =	sbr.ind lr, $3  }
0x3a: {  	_ = 	snop  }
0x3b: {  	_ = 	snop  }
0x3c: {  	p2 =	seq.s32 s10, $0x1;
	s10 =	sld [smem:$0x3FAD]  }
0x3d: {  	_ =	shalt  }
0x3e: {  	_ =	shalt  }
0x3f: {  	_ =	shalt  }
0x40: {  	_ =	shalt  }
0x41: {  	_ =	shalt  }
0x42: {  	_ =	shalt  }
0x43: {  	_ =	shalt  }
0x44: {  	_ =	shalt  }
0x45: {  	_ =	shalt  }
0x46: {  	_ =	shalt  }
0x47: {  	_ =	shalt  }
0x48: {  	_ =	shalt  }
0x49: {  	_ =	shalt  }
0x4a: {  	_ =	shalt  }
0x4b: {  	_ =	shalt  }
0x4c: {  	_ =	shalt  }
0x4d: {  	_ =	shalt  }
0x4e: {  	_ =	shalt  }
0x4f: {  	_ =	shalt  }
0x50: {  	_ =	shalt  }
0x51: {  	_ =	shalt  }
0x52: {  	_ =	shalt  }
0x53: {  	_ =	shalt  }
0x54: {  	_ =	shalt  }
0x55: {  	_ =	shalt  }
0x56: {  	_ =	shalt  }
0x57: {  	_ =	shalt  }
0x58: {  	_ =	shalt  }
0x59: {  	_ =	shalt  }
0x5a: {  	_ =	shalt  }
0x5b: {  	_ =	shalt  }
0x5c: {  	_ =	shalt  }
0x5d: {  	_ =	shalt  }
0x5e: {  	_ =	shalt  }
0x5f: {  	_ =	shalt  }
0x60: {  	_ =	shalt  }
0x61: {  	_ =	shalt  }
0x62: {  	_ =	shalt  }
0x63: {  	_ =	shalt  }
0x64: {  	_ =	shalt  }
0x65: {  	_ =	shalt  }
0x66: {  	_ =	shalt  }
0x67: {  	_ =	shalt  }
0x68: {  	_ =	shalt  }
0x69: {  	_ =	shalt  }
0x6a: {  	_ =	shalt  }
0x6b: {  	_ =	shalt  }
0x6c: {  	_ =	shalt  }
0x6d: {  	_ =	shalt  }
0x6e: {  	_ =	shalt  }
0x6f: {  	_ =	shalt  }
0x70: {  	_ =	shalt  }
0x71: {  	_ =	shalt  }
0x72: {  	_ =	shalt  }
0x73: {  	_ =	shalt  }
0x74: {  	_ =	shalt  }
0x75: {  	_ =	shalt  }
0x76: {  	_ =	shalt  }
0x77: {  	_ =	shalt  }
0x78: {  	_ =	shalt  }
0x79: {  	_ =	shalt  }
0x7a: {  	_ =	shalt  }
0x7b: {  	_ =	shalt  }
0x7c: {  	_ =	shalt  }
0x7d: {  	_ =	shalt  }
0x7e: {  	_ =	shalt  }
0x7f: {  	_ =	shalt  }
0x80: {  	_ =	shalt  }
0x81: {  	_ =	shalt  }
0x82: {  	_ =	shalt  }
0x83: {  	_ =	shalt  }
0x84: {  	_ =	shalt  }
0x85: {  	_ =	shalt  }
0x86: {  	_ =	shalt  }
0x87: {  	_ =	shalt  }
.Lfunc_end0:
.L_simem_size_0:
called_computation.2_lowered:
.L_overlay_start_0:
0x88: {  	s2 =	sld [smem:$0x3FD9]  }
0x89: {  	s3 =	sld [smem:$0x3FFE];
	_ =	sdelay $0x1  }
0x8a: {  	s1 =	srdreg.scid  }
0x8b: {  	s0 =	sand.u32 $0x1, s1  }
0x8c: {  	s16 =	sshll.u32 s0, $0xA;
	s2 =	sadd.s32 s3, s2  }
0x8d: {  	s2 =	sadd.s32 s2, s16  }
0x8e: {  	[smem:$0x3FB9] =	sst s2  }
0x8f: {  	_ = 	snop  }
0x90: {  	(tm) =	ssettm $0x1  }
0x91: {  	s17 =	sld [smem:$0x3FFB];
	_ =	sdelay $0x3  }
0x92: {  	_ =	strace s17  }
0x93: {  	s2 =	sld [smem:$0x3FFC];
	_ =	sdelay $0x3  }
0x94: {  	_ =	strace s2  }
0x95: {  	s2 =	sld [smem:$0x3FFD];
	_ =	sdelay $0x3  }
0x96: {  	_ =	strace s2  }
0x97: {  	_ =	strace $0x8FFFFFFF  }
0x98: {  	s18 =	sld [smem:$0x3FDB];
	_ =	sdelay $0x1  }
0x99: {  	s19 =	simm.s32 $_scs_section_size  }
0x9a: {  	s4 =	simm.s32 $_size__tile_overlayer_lowered;
	s5 =	simm.s32 $_tile_overlayer_lowered  }
0x9b: {  	s22 =	simm.s32 $0x1BFF;
	s21 =	sshll.u32 s5, $0x1;
	s2 =	sadd.s32 s19, s18  }
0x9c: {  	s6 =	simm.s32 $0x0;
	s20 =	sshll.u32 s4, $0x1;
	s4 =	sadd.s32 s21, s2  }
0x9d: {  	[timem:s6], [sflag:s22] =	dma.local [hbm:s4], s20  }
0x9e: {  	_ =	swait.ge [sflag:s22], s20  }
0x9f: {  	s3 =	ssub.s32 $0x0, s20;
	[sflag:s22] =	ssyncset.done $0x0  }
0xa0: {  	[sflag:s22] =	ssyncadd.s32 s3;
	_ =	sdelay $0x1  }
0xa1: {  	s23 =	simm.s32 $0x1B8B  }
0xa2: {  	_ =	swait.ge [sflag:s23], $0x1  }
0xa3: {  	[sflag:s23] =	ssyncset.done $0x0  }
0xa4: {  	s25 =	simm.s32 $0x1B8E;
	s24 =	sld [smem:$0x3FFE];
	[sflag:s23] =	ssyncadd.s32 $0xFFFFFFFF  }
0xa5: {  	s26 =	simm.s32 $execute0_lowered;
	[smem:$0x3FD2] =	sst s25  }
0xa6: {  	s4 =	sshll.u32 s26, $0x1;
	_ =	strace $0x8000004C;
	[dreg:$0x1] =	wrdreg $0xFFFFFFFF  }
0xa7: {  	s28 =	simm.s32 $_size_execute0_lowered;
	s2 =	sadd.s32 s2, s4;
	[dreg:$0x0] =	wrdreg $0x0  }
0xa8: {  	s4 =	sshll.u32 s28, $0x1;
	[dreg:$0x2] =	wrdreg s2  }
0xa9: {  	[dreg:$0x3] =	wrdreg s4  }
0xaa: {  	[dreg:$0x4] =	wrdreg $0xC0  }
0xab: {  	_ =	task [dreg:s6], $0x5FFFF  }
0xac: {  	[dreg:$0x1] =	wrdreg $0xFFFFFFFF  }
0xad: {  	[dreg:$0x0] =	wrdreg $0x60  }
0xae: {  	[dreg:$0x2] =	wrdreg s24  }
0xaf: {  	[dreg:$0x3] =	wrdreg $0x9  }
0xb0: {  	_ =	task.clear_ibuf [dreg:s6], $0x4FFFF;
	_ =	strace $0x9000004C  }
0xb1: {  	s29 =	simm.s32 $0x9;
	_ =	strace $0x8000004E  }
0xb2: {  	_ =	swait.ge [sflag:s29], $0x1  }
0xb3: {  	[sflag:s29] =	ssyncadd.s32 $0xFFFFFFFF  }
0xb4: {  	_ =	strace $0x9000004E  }
0xb5: {  	_ =	sfence  }
0xb6: {  	s30 =	sld [smem:$0x0];
	_ =	sdelay $0x2  }
0xb7: {  	s31 =	sshll.u32 s1, $0xD;
	s1 =	sshrl.u32 s1, $0x2  }
0xb8: {  	s3 =	sand.u32 $0x4000, s31;
	s1 =	sadd.s32 s1, s30  }
0xb9: {  	s0 =	sor.u32 s3, s0;
	s1 =	sshll.u32 s1, $0x11  }
0xba: {  	s0 =	sor.u32 s1, s0  }
0xbb: {  	s0 =	sadd.s32 $0x8F2B, s0  }
0xbc: {  	[sflag:s0] =	ssyncadd.remote.s32 $0x1  }
0xbd: {  	_ =	sfence.sel $0xFFFF  }
0xbe: {  	[dreg:$0x0] =	wrdreg $0xFFFFFFFF;
	(pc) =	sbr.abs _section_cstart, $3  }
0xbf: {  	[dreg:$0x1] =	wrdreg $0xFFFFFFFF  }
0xc0: {  	_ =	task.clear_ibuf [dreg:s6], $0x2FFFF;
	_ =	strace $0x9FFFFFFF  }
0xc1: {  	(tm) =	ssettm $0x7FFFFFFF  }
tec
execute0_lowered:
.L_overlay_start_1:
0x0: {  	(tag) =	ssettag $0x1  }
0x1: {  	s1 =	srdreg.scid  }
0x2: {  	s0 =	stileid.u32;
	s4 =	rddreg [dreg:$0x0];
	s2 =	simm.s32 $0x0  }
0x3: {  	s12 =	simm.s32 $0x1;
	s13 =	simm.s32 $0x80;
	s14 =	simm.s32 $0x5400  }
0x4: {  	s15 =	simm.s32 $0x2;
	s16 =	simm.s32 $0x1380;
	s17 =	simm.s32 $0x0  }
0x5: {  	s5 =	sand.u32 $0x1, s1;
	s3 =	sshll.u32 s0, $0x1;
	s9 =	smul.u32 $0x140000, s0  }
0x6: {  	s1 =	rddreg [dreg:$0x1];
	s6 =	sor.u32 s5, s3;
	s11 =	smul.u32 $0xA0000, s5  }
0x7: {  	[smem:$0x7FF] =	sst s2;
	s8 =	ssub.s32 $0x2, s5;
	s7 =	smul.u32 $0x280, s6  }
0x8: {  	s10 =	sadd.s32 $0x293000, s4;
	s6 =	smul.u32 $0xA0000, s6;
	s26 =	sshrl.u32 s8, $0x1  }
0x9: {  	_ =	strace $0x8000004D;
	s3 =	sadd.s32 $0xE000, s4;
	s28 =	ssub.s32 s8, s26  }
0xa: {  	s30 =	sadd.s32 s11, s9;
	s7 =	sadd.s32 s7, s4;
	s6 =	sshrl.u32 s6, $0x3  }
0xb: {  	s5 =	smax.u32 s28, $0x1;
	s9 =	sshrl.u32 s30, $0x3;
	s11 =	sor.u32 $0x4000, s30  }
0xc: {  	s4 =	sadd.s32 $0x9000, s7;
	s29 =	sadd.s32 s10, s6;
	s8 =	sadd.s32 s9, s10  }
0xd: {  	s31 =	sshrl.u32 s11, $0x3;
	s11 =	simm.s32 $0x1400;
	s6 =	sadd.s32 $0x13000, s29  }
0xe: {  	s7 =	sadd.s32 $0x13800, s29;
	s9 =	sadd.s32 s31, s10;
	s10 =	simm.s32 $0x3  }
.LBB2_1:
0xf: {  	[tilespmem:s2], [sflag:$0x3] =	stream.linear.gather [hbm4b:s4+s2], $0x1400, $0x38;
	[tilespmem:$0x9400] =	vst v63  }
0x10: {  	_ =	swait.ge [sflag:s10], $0x1400  }
0x11: {  	[sflag:s10] =	ssyncset.done $0x0  }
0x12: {  	[sflag:s10] =	ssyncadd.s32 $0xFFFFEC00  }
0x13: {  	[tilespmem:s11], [sflag:$0x1] =	stream.indirect.gather [hbm4b:s3+s13], $0x80, s2, s13, $0xb8;
	[tilespmem:$0x9400] =	vst v63  }
0x14: {  	_ =	swait.ge [sflag:s12], $0x4000  }
0x15: {  	[sflag:s12] =	ssyncset.done $0x0  }
0x16: {  	[sflag:s12] =	ssyncadd.s32 $0xFFFFC000  }
0x17: {  	[tilespmem:s14], [sflag:$0x2] =	stream.indirect.gather [hbm4b:s3+s13], $0x80, s13, s13, $0xb8;
	[tilespmem:$0x9400] =	vst v63  }
0x18: {  	s18 =	sadd.s32 $0x0, s8  }
0x19: {  	[hbm4b:s18+s2] =	stream.linear.scatter [tilespmem:s11], [sflag:$0x3], $0x4000, $0x38;
	[tilespmem:$0x9400] =	vst v63  }
0x1a: {  	_ =	swait.ge [sflag:s10], $0x4000  }
0x1b: {  	[sflag:s10] =	ssyncset.done $0x0  }
0x1c: {  	[sflag:s10] =	ssyncadd.s32 $0xFFFFC000  }
0x1d: {  	_ =	swait.ge [sflag:s15], $0x4000  }
0x1e: {  	[sflag:s15] =	ssyncset.done $0x0  }
0x1f: {  	s30 =	simm.s32 $0x100;
	[sflag:s15] =	ssyncadd.s32 $0xFFFFC000  }
0x20: {  	[tilespmem:s11], [sflag:$0x1] =	stream.indirect.gather [hbm4b:s3+s13], $0x80, s30, s13, $0xb8;
	[tilespmem:$0x9400] =	vst v63  }
0x21: {  	s31 =	sadd.s32 $0x0, s9  }
0x22: {  	[hbm4b:s31+s2] =	stream.linear.scatter [tilespmem:s14], [sflag:$0x3], $0x4000, $0x38;
	[tilespmem:$0x9400] =	vst v63  }
0x23: {  	_ =	swait.ge [sflag:s10], $0x4000  }
0x24: {  	s19 =	simm.s32 $0x80;
	s18 =	simm.s32 $0x1000;
	[sflag:s10] =	ssyncset.done $0x0  }
.LBB2_2:
0x25: {  	p0 =	sne.s32 s18, $0x12000;
	[sflag:s10] =	ssyncadd.s32 $0xFFFFC000;
	s19 =	sadd.s32 $0x100, s19  }
0x26: {  	s20 =	smov.u32 s18;
	s18 =	sadd.s32 $0x1000, s18  }
0x27: {  	_ =	swait.ge [sflag:s12], $0x4000  }
0x28: {  	[sflag:s12] =	ssyncset.done $0x0  }
0x29: {  	[sflag:s12] =	ssyncadd.s32 $0xFFFFC000  }
0x2a: {  	[tilespmem:s14], [sflag:$0x2] =	stream.indirect.gather [hbm4b:s3+s13], $0x80, s19, s13, $0xb8;
	[tilespmem:$0x9400] =	vst v63  }
0x2b: {  	s21 =	sadd.s32 s20, s8  }
0x2c: {  	[hbm4b:s21+s2] =	stream.linear.scatter [tilespmem:s11], [sflag:$0x3], $0x4000, $0x38;
	[tilespmem:$0x9400] =	vst v63  }
0x2d: {  	_ =	swait.ge [sflag:s10], $0x4000  }
0x2e: {  	[sflag:s10] =	ssyncset.done $0x0  }
0x2f: {  	[sflag:s10] =	ssyncadd.s32 $0xFFFFC000  }
0x30: {  	_ =	swait.ge [sflag:s15], $0x4000  }
0x31: {  	[sflag:s15] =	ssyncset.done $0x0  }
0x32: {  	s21 =	sadd.s32 $0x80, s19;
	[sflag:s15] =	ssyncadd.s32 $0xFFFFC000  }
0x33: {  	[tilespmem:s11], [sflag:$0x1] =	stream.indirect.gather [hbm4b:s3+s13], $0x80, s21, s13, $0xb8;
	[tilespmem:$0x9400] =	vst v63  }
.Ltmp0:
0x34: {  	_ = 	snop;
	(pc) =	sbr.rel @p0 .LBB2_2-.Ltmp0, $4  }
0x35: {  	s20 =	sadd.s32 s20, s9  }
0x36: {  	[hbm4b:s20+s2] =	stream.linear.scatter [tilespmem:s14], [sflag:$0x3], $0x4000, $0x38;
	[tilespmem:$0x9400] =	vst v63  }
0x37: {  	_ =	swait.ge [sflag:s10], $0x4000  }
0x38: {  	[sflag:s10] =	ssyncset.done $0x0  }
0x39: {  	[sflag:s10] =	ssyncadd.s32 $0xFFFFC000  }
0x3a: {  	_ =	swait.ge [sflag:s12], $0x4000  }
0x3b: {  	[sflag:s12] =	ssyncset.done $0x0  }
0x3c: {  	[sflag:s12] =	ssyncadd.s32 $0xFFFFC000  }
0x3d: {  	[tilespmem:s14], [sflag:$0x2] =	stream.indirect.gather [hbm4b:s3+s13], $0x80, s16, s13, $0xb8;
	[tilespmem:$0x9400] =	vst v63  }
0x3e: {  	_ = 	snop  }
0x3f: {  	[hbm4b:s6+s2] =	stream.linear.scatter [tilespmem:s11], [sflag:$0x3], $0x4000, $0x38;
	[tilespmem:$0x9400] =	vst v63  }
0x40: {  	_ =	swait.ge [sflag:s10], $0x4000  }
0x41: {  	[sflag:s10] =	ssyncset.done $0x0  }
0x42: {  	[sflag:s10] =	ssyncadd.s32 $0xFFFFC000  }
0x43: {  	s17 =	sadd.s32 $0x1, s17;
	_ =	swait.ge [sflag:s15], $0x4000  }
0x44: {  	p0 =	sne.s32 s17, s5;
	[sflag:s15] =	ssyncset.done $0x0  }
.Ltmp1:
0x45: {  	[sflag:s15] =	ssyncadd.s32 $0xFFFFC000;
	(pc) =	sbr.rel @p0 .LBB2_1-.Ltmp1, $4  }
0x46: {  	[hbm4b:s7+s2] =	stream.linear.scatter [tilespmem:s14], [sflag:$0x3], $0x4000, $0x38;
	[tilespmem:$0x9400] =	vst v63  }
0x47: {  	_ =	swait.ge [sflag:s10], $0x4000  }
0x48: {  	[sflag:s10] =	ssyncset.done $0x0  }
0x49: {  	[sflag:s10] =	ssyncadd.s32 $0xFFFFC000  }
0x4a: {  	_ =	sfence.sel $0x180000  }
0x4b: {  	[bflag:$0x0] =	sbarrier.arrive $0xFFFF  }
0x4c: {  	p0 =	sne.s32 s0, $0x0;
	_ =	strace $0x9000004D  }
0x4d: {  	s0 =	sadd.s32 @!p0 $0x100000, s1;
	[bflag:$0x2] =	sbarrier.arrive $0xFFFF  }
0x4e: {  	[sflag:s0] =	ssyncadd.tile.s32 @!p0 $0x1;
	_ =	shalt  }
.Lfunc_end2:
_tile_overlayer_lowered:
.L_overlay_start_2:
0x4f: {  	(tag) =	ssettag $0x2  }
0x50: {  	s0 =	rddreg [dreg:$0x0];
	s2 =	stileid.u32  }
0x51: {  	s1 =	rddreg [dreg:$0x1];
	p0 =	sne.s32 s2, $0x0  }
0x52: {  	s3 =	rddreg [dreg:$0x2];
	[bflag:$0x3] =	sbarrier.arrive $0xFFFF;
	s2 =	simm.s32 @!p0 $0x1C03  }
0x53: {  	[timem:s3], [sflag:s2] =	dma.local @!p0 [hbm:s0], s1  }
0x54: {  	s0 =	simm.s32 @!p0 $0x3  }
0x55: {  	_ =	swait.ge @!p0 [sflag:s0], s1  }
0x56: {  	s1 =	ssub.s32 @!p0 $0x0, s1;
	[sflag:s0] =	ssyncset.done @!p0 $0x0  }
0x57: {  	[sflag:s0] =	ssyncadd.s32 @!p0 s1  }
0x58: {  	[bflag:$0x3] =	sbarrier.arrive $0xFFFF  }
0x59: {  	_ =	shalt  }

</sc_bundles>
